<compile_context>
chip_gen: v7x
topology: tpu7x:2x2x1
jax: 0.10.2.dev20260603
libtpu: 0.0.44.dev20260713+nightly
codegen_flags: <defaults>
</compile_context>

<pallas_src>
import dataclasses
import functools

import jax
import jax.numpy as jnp
from jax import lax
from jax.experimental import pallas as pl
from jax.experimental.pallas import tpu as pltpu
from jax.experimental.pallas import tpu_sc as plsc

N_TILES = 16
N_CORES = 2
N_WORK = N_CORES * N_TILES
DH = 128
LANES = 16
B = 64
NBC = 8


def _sc_aggregate(x_lo, x_hi, src3, dst3, n_pad):
    _, NB, _ = src3.shape
    NCH = NB // NBC
    RPT = n_pad // N_TILES
    CROWS = n_pad // 128
    mesh = plsc.VectorSubcoreMesh(core_axis_name="c", subcore_axis_name="s")
    cp = pltpu.CompilerParams()
    if "needs_layout_passes" in pltpu.CompilerParams.__dataclass_fields__:
        cp = dataclasses.replace(cp, needs_layout_passes=False)

    @functools.partial(
        pl.kernel,
        compiler_params=cp,
        out_type=(
            jax.ShapeDtypeStruct((n_pad, DH), jnp.float32),
            jax.ShapeDtypeStruct((n_pad, DH), jnp.float32),
            jax.ShapeDtypeStruct((N_WORK, CROWS, 128), jnp.float32),
        ),
        mesh=mesh,
        scratch_types=[
            pltpu.VMEM((2, NBC, B), jnp.int32),
            pltpu.VMEM((2, NBC, B), jnp.int32),
            pltpu.VMEM((2, B, DH), jnp.float32),
            pltpu.VMEM((CROWS, 128), jnp.float32),
            pltpu.VMEM_SHARED((n_pad, DH), jnp.float32),
            pltpu.SemaphoreType.DMA,
            pltpu.SemaphoreType.DMA,
        ],
    )
    def agg(xlo_hbm, xhi_hbm, src_hbm, dst_hbm,
            slo_hbm, shi_hbm, cnt_hbm,
            srcv, dstv, rows, cntv, acc, g0, g1):
        c = lax.axis_index("c")
        s = lax.axis_index("s")
        zero16 = jnp.zeros((LANES,), jnp.float32)
        one16 = jnp.ones((LANES,), jnp.float32)

        @pl.loop(0, B)
        def _(i):
            @pl.loop(0, DH // LANES)
            def _(j):
                rows[0, i, pl.ds(j * LANES, LANES)] = zero16

        @pl.loop(0, CROWS)
        def _(i):
            @pl.loop(0, 128 // LANES)
            def _(j):
                cntv[i, pl.ds(j * LANES, LANES)] = zero16

        @pl.loop(0, RPT // B)
        def _(k):
            pltpu.sync_copy(rows.at[0], acc.at[pl.ds(s * RPT + k * B, B)])

        plsc.subcore_barrier()

        def stage(ch):
            buf = lax.rem(ch, 2)
            pltpu.sync_copy(src_hbm.at[s].at[pl.ds(ch * NBC, NBC)],
                            srcv.at[buf])
            pltpu.sync_copy(dst_hbm.at[s].at[pl.ds(ch * NBC, NBC)],
                            dstv.at[buf])

        def src_row(j):
            return srcv.at[lax.rem(j // NBC, 2)].at[lax.rem(j, NBC)]

        def dst_row(j):
            return dstv.at[lax.rem(j // NBC, 2)].at[lax.rem(j, NBC)]

        def start_gather(j, rbuf, sem):
            @pl.when(c == 0)
            def _():
                pltpu.async_copy(xlo_hbm.at[src_row(j)], rows.at[rbuf], sem)

            @pl.when(c == 1)
            def _():
                pltpu.async_copy(xhi_hbm.at[src_row(j)], rows.at[rbuf], sem)

        def wait_gather(rbuf, sem):
            pltpu.make_async_copy(xlo_hbm.at[pl.ds(0, B)], rows.at[rbuf],
                                  sem).wait()

        def consume(j, rbuf):
            pltpu.sync_copy(rows.at[rbuf], acc.at[dst_row(j)], add=True)
            @pl.when(lax.rem(j, 2) == c)
            def _():
                @pl.loop(0, B // LANES)
                def _(k):
                    d = dstv[lax.rem(j // NBC, 2), lax.rem(j, NBC),
                             pl.ds(k * LANES, LANES)]
                    plsc.addupdate_scatter(
                        cntv,
                        [lax.shift_right_logical(d, 7),
                         lax.bitwise_and(d, 127)],
                        one16)

        NB_TOT = NCH * NBC
        stage(0)
        start_gather(0, 0, g0)

        @pl.loop(0, NB_TOT // 2)
        def _(p):
            j0 = 2 * p
            j1 = j0 + 1
            j2 = j0 + 2

            @pl.when(lax.rem(j1, NBC) == 0)
            def _():
                stage(j1 // NBC)
            start_gather(j1, 1, g1)
            wait_gather(0, g0)
            consume(j0, 0)

            @pl.when(j2 < NB_TOT)
            def _():
                @pl.when(lax.rem(j2, NBC) == 0)
                def _():
                    stage(j2 // NBC)
                start_gather(j2, 0, g0)
            wait_gather(1, g1)
            consume(j1, 1)

        plsc.subcore_barrier()

        stripe = pl.ds(s * RPT, RPT)

        @pl.when(c == 0)
        def _():
            pltpu.sync_copy(acc.at[stripe], slo_hbm.at[stripe])

        @pl.when(c == 1)
        def _():
            pltpu.sync_copy(acc.at[stripe], shi_hbm.at[stripe])

        pltpu.sync_copy(cntv, cnt_hbm.at[c * N_TILES + s])

    return agg(x_lo, x_hi, src3, dst3)


def _tc_self(x_dst, W1t, b2):
    n, d = x_dst.shape
    out = W1t.shape[1]
    BLK = 1000

    def body(xd, wt, bb, o):
        o[...] = jnp.dot(xd[...], wt[...], precision=lax.Precision.HIGHEST,
                         preferred_element_type=jnp.float32) + bb[...]

    return pl.pallas_call(
        body,
        grid=(n // BLK,),
        in_specs=[
            pl.BlockSpec((BLK, d), lambda i: (i, 0)),
            pl.BlockSpec((d, out), lambda i: (0, 0)),
            pl.BlockSpec((1, out), lambda i: (0, 0)),
        ],
        out_specs=pl.BlockSpec((BLK, out), lambda i: (i, 0)),
        out_shape=jax.ShapeDtypeStruct((n, out), jnp.float32),
    )(x_dst, W1t, b2)


def _tc_head(y0, sum_lo, sum_hi, cnt_t, W2t):
    n, _ = y0.shape
    out = W2t.shape[1]
    BLK = 1000

    def body(y0r, slo, shi, ct, wt, o):
        cnt = jnp.sum(ct[...], axis=1, keepdims=True)
        scale = 1.0 / jnp.maximum(cnt, 1.0)
        acc = y0r[...]
        acc = acc + jnp.dot(slo[...] * scale, wt[0:DH, :],
                            precision=lax.Precision.HIGHEST,
                            preferred_element_type=jnp.float32)
        acc = acc + jnp.dot(shi[...] * scale, wt[DH:2 * DH, :],
                            precision=lax.Precision.HIGHEST,
                            preferred_element_type=jnp.float32)
        o[...] = jnp.maximum(acc, 0.0)

    return pl.pallas_call(
        body,
        grid=(n // BLK,),
        in_specs=[
            pl.BlockSpec((BLK, out), lambda i: (i, 0)),
            pl.BlockSpec((BLK, DH), lambda i: (i, 0)),
            pl.BlockSpec((BLK, DH), lambda i: (i, 0)),
            pl.BlockSpec((BLK, N_WORK), lambda i: (i, 0)),
            pl.BlockSpec((2 * DH, out), lambda i: (0, 0)),
        ],
        out_specs=pl.BlockSpec((BLK, out), lambda i: (i, 0)),
        out_shape=jax.ShapeDtypeStruct((n, out), jnp.float32),
    )(y0, sum_lo, sum_hi, cnt_t, W2t)


def kernel(x_src, x_dst, edge_index, W, b):
    n_dst = x_dst.shape[0]
    n_pad = ((n_dst + 128 * N_TILES - 1) // (128 * N_TILES)) * (128 * N_TILES)
    src = edge_index[0].astype(jnp.int32)
    dst = edge_index[1].astype(jnp.int32)
    e = src.shape[0]
    epw = B * NBC
    e_pad = ((e + N_TILES * epw - 1) // (N_TILES * epw)) * (N_TILES * epw)
    src = jnp.concatenate([src, jnp.zeros((e_pad - e,), jnp.int32)])
    dst = jnp.concatenate(
        [dst, jnp.full((e_pad - e,), n_pad - 1, jnp.int32)])
    ept = e_pad // N_TILES
    nb = ept // B
    src3 = src.reshape(N_TILES, nb, B)
    dst3 = dst.reshape(N_TILES, nb, B)
    x_lo = x_src[:, :DH]
    x_hi = x_src[:, DH:]
    sum_lo, sum_hi, cnt = _sc_aggregate(x_lo, x_hi, src3, dst3, n_pad)
    Wt = W.T
    d = x_src.shape[1]
    y0 = _tc_self(x_dst, Wt[:d], b.reshape(1, -1))
    cnt_t = cnt.reshape(N_WORK, n_pad).T
    return _tc_head(y0, sum_lo[:n_dst], sum_hi[:n_dst], cnt_t[:n_dst],
                    Wt[d:])

# --- scband reference (transcript-rebuilt; emitter-appended) ---
"""Pipeline reference for scband-sageconv-bipartite-33852932227163 (READ-ONLY COPY).

The authoritative reference and input builder live on the scoring server;
editing this copy changes nothing except your own understanding.
"""

import jax, jax.numpy as jnp
import numpy as np

N_SRC = 10000
N_DST = 10000
E = 160000
D = 256
OUT = 256

def setup_inputs(seed: int = 0) -> dict:
    key = jax.random.key(seed)
    k1, k2, k3, k4 = jax.random.split(key, 4)
    x_src = jax.random.normal(k1, (N_SRC, D), dtype=jnp.float32)
    x_dst = jax.random.normal(k2, (N_DST, D), dtype=jnp.float32)
    edge_index = jax.random.randint(k3, (2, E), 0, N_SRC, dtype=jnp.int64)
    # Linear(2*in_feats, out_feats): weight [out, 2*in], bias [out]
    W = jax.random.normal(k4, (OUT, 2 * D), dtype=jnp.float32) * (1.0 / np.sqrt(2 * D))
    b = jnp.zeros((OUT,), dtype=jnp.float32)
    return {"x_src": x_src, "x_dst": x_dst, "edge_index": edge_index, "W": W, "b": b}

def reference(x_src, x_dst, edge_index, W, b):
    src = edge_index[0]
    dst = edge_index[1]
    # message passing: copy_u then mean over incoming edges per dst node
    msgs = jnp.take(x_src, src, axis=0)                       # gather [E, D]
    summed = jax.ops.segment_sum(msgs, dst, num_segments=N_DST)
    cnt = jax.ops.segment_sum(jnp.ones((E,), dtype=jnp.float32), dst, num_segments=N_DST)
    x_neigh = summed / jnp.clip(cnt, 1.0, None)[:, None]      # zero-degree dst -> 0 (DGL mean semantics)
    x_concat = jnp.concatenate([x_dst, x_neigh], axis=-1)      # [N_DST, 2D]
    y = jax.nn.relu(x_concat @ W.T + b)
    return y

if __name__ == "__main__":
    import jax
    _d = setup_inputs()
    print(jax.jit(kernel)(*tuple(_d.values())))

</pallas_src>

<mosaic_0001>
#map = affine_map<(d0, d1) -> (0, 0)>
#map1 = affine_map<(d0, d1) -> (0, 0, 0)>
module attributes {stable_mosaic.version = 14 : i64} {
  func.func @agg(%arg0: i32, %arg1: i32, %arg2: memref<10000x128xf32, #tpu.memory_space<hbm>>, %arg3: memref<10000x128xf32, #tpu.memory_space<hbm>>, %arg4: memref<16x160x64xi32, #tpu.memory_space<hbm>>, %arg5: memref<16x160x64xi32, #tpu.memory_space<hbm>>, %arg6: memref<10240x128xf32, #tpu.memory_space<hbm>>, %arg7: memref<10240x128xf32, #tpu.memory_space<hbm>>, %arg8: memref<32x80x128xf32, #tpu.memory_space<hbm>>, %arg9: memref<2x8x64xi32, #tpu.memory_space<vmem>>, %arg10: memref<2x8x64xi32, #tpu.memory_space<vmem>>, %arg11: memref<2x64x128xf32, #tpu.memory_space<vmem>>, %arg12: memref<80x128xf32, #tpu.memory_space<vmem>>, %arg13: memref<10240x128xf32, #tpu.memory_space<vmem_shared>>, %arg14: memref<!tpu.dma_semaphore, #tpu.memory_space<semaphore_mem>>, %arg15: memref<!tpu.dma_semaphore, #tpu.memory_space<semaphore_mem>>) attributes {dimension_semantics = [#tpu.dimension_semantics<core_parallel>, #tpu.dimension_semantics<subcore_parallel>], iteration_bounds = array<i64: 2, 16>, scalar_prefetch = 0 : i64, scratch_operands = 7 : i64, tpu.core_type = #tpu.core_type<sc_vector_subcore>, window_params = [{transform_indices = #map}, {transform_indices = #map}, {transform_indices = #map1}, {transform_indices = #map1}, {transform_indices = #map}, {transform_indices = #map}, {transform_indices = #map1}]} {
    %broadcast_in_dim3A = arith.constant 0.000000e+00 : f32
    %broadcast_in_dim3A_0 = vector.broadcast %broadcast_in_dim3A : f32 to vector<16xf32>
    %broadcast_in_dim3A_1 = arith.constant 1.000000e+00 : f32
    %broadcast_in_dim3A_2 = vector.broadcast %broadcast_in_dim3A_1 : f32 to vector<16xf32>
    %scan3A = arith.constant 0 : i32
    %scan3A_3 = arith.constant 64 : i32
    %scan3A_4 = arith.addi %scan3A, %scan3A_3 : i32
    %scan3A_5 = arith.constant 1 : i32
    scf.for %scan3A_45 = %scan3A to %scan3A_4 step %scan3A_5  : i32 {
      %mul3A_46 = arith.constant 1 : i32
      %mul3A_47 = arith.muli %scan3A_45, %mul3A_46 : i32
      %add3A_48 = arith.constant 0 : i32
      %add3A_49 = arith.addi %add3A_48, %mul3A_47 : i32
      %scan3A_50 = arith.constant 0 : i32
      %scan3A_51 = arith.constant 8 : i32
      %scan3A_52 = arith.addi %scan3A_50, %scan3A_51 : i32
      %scan3A_53 = arith.constant 1 : i32
      scf.for %scan3A_55 = %scan3A_50 to %scan3A_52 step %scan3A_53  : i32 {
        %mul3A_56 = arith.constant 1 : i32
        %mul3A_57 = arith.muli %scan3A_55, %mul3A_56 : i32
        %add3A_58 = arith.constant 0 : i32
        %add3A_59 = arith.addi %add3A_58, %mul3A_57 : i32
        %mul3A_60 = arith.constant 16 : i32
        %mul3A_61 = arith.muli %add3A_59, %mul3A_60 : i32
        %swap3A = arith.constant 0 : i32
        %swap3A_62 = arith.index_cast %swap3A : i32 to index
        %swap3A_63 = arith.index_cast %add3A_49 : i32 to index
        %swap3A_64 = arith.index_cast %mul3A_61 : i32 to index
        %swap3A_65 = tpu.vector_load %arg11[%swap3A_62, %swap3A_63, %swap3A_64] {strides = array<i32>} : memref<2x64x128xf32, #tpu.memory_space<vmem>>, vector<16xf32>,
        tpu.vector_store %arg11[%swap3A_62, %swap3A_63, %swap3A_64], %broadcast_in_dim3A_0 {strides = array<i32>} : memref<2x64x128xf32, #tpu.memory_space<vmem>>, vector<16xf32>,
      }
      %scan3A_54 = arith.constant 8 : i32
    }
    %scan3A_6 = arith.constant 64 : i32
    %scan3A_7 = arith.constant 0 : i32
    %scan3A_8 = arith.constant 80 : i32
    %scan3A_9 = arith.addi %scan3A_7, %scan3A_8 : i32
    %scan3A_10 = arith.constant 1 : i32
    scf.for %scan3A_45 = %scan3A_7 to %scan3A_9 step %scan3A_10  : i32 {
      %mul3A_46 = arith.constant 1 : i32
      %mul3A_47 = arith.muli %scan3A_45, %mul3A_46 : i32
      %add3A_48 = arith.constant 0 : i32
      %add3A_49 = arith.addi %add3A_48, %mul3A_47 : i32
      %scan3A_50 = arith.constant 0 : i32
      %scan3A_51 = arith.constant 8 : i32
      %scan3A_52 = arith.addi %scan3A_50, %scan3A_51 : i32
      %scan3A_53 = arith.constant 1 : i32
      scf.for %scan3A_55 = %scan3A_50 to %scan3A_52 step %scan3A_53  : i32 {
        %mul3A_56 = arith.constant 1 : i32
        %mul3A_57 = arith.muli %scan3A_55, %mul3A_56 : i32
        %add3A_58 = arith.constant 0 : i32
        %add3A_59 = arith.addi %add3A_58, %mul3A_57 : i32
        %mul3A_60 = arith.constant 16 : i32
        %mul3A_61 = arith.muli %add3A_59, %mul3A_60 : i32
        %swap3A = arith.index_cast %add3A_49 : i32 to index
        %swap3A_62 = arith.index_cast %mul3A_61 : i32 to index
        %swap3A_63 = tpu.vector_load %arg12[%swap3A, %swap3A_62] {strides = array<i32>} : memref<80x128xf32, #tpu.memory_space<vmem>>, vector<16xf32>,
        tpu.vector_store %arg12[%swap3A, %swap3A_62], %broadcast_in_dim3A_0 {strides = array<i32>} : memref<80x128xf32, #tpu.memory_space<vmem>>, vector<16xf32>,
      }
      %scan3A_54 = arith.constant 8 : i32
    }
    %scan3A_11 = arith.constant 80 : i32
    %scan3A_12 = arith.constant 0 : i32
    %scan3A_13 = arith.constant 10 : i32
    %scan3A_14 = arith.addi %scan3A_12, %scan3A_13 : i32
    %scan3A_15 = arith.constant 1 : i32
    scf.for %scan3A_45 = %scan3A_12 to %scan3A_14 step %scan3A_15  : i32 {
      %mul3A_46 = arith.constant 1 : i32
      %mul3A_47 = arith.muli %scan3A_45, %mul3A_46 : i32
      %add3A_48 = arith.constant 0 : i32
      %add3A_49 = arith.addi %add3A_48, %mul3A_47 : i32
      %mul3A_50 = arith.constant 640 : i32
      %mul3A_51 = arith.muli %arg1, %mul3A_50 : i32
      %mul3A_52 = arith.constant 64 : i32
      %mul3A_53 = arith.muli %add3A_49, %mul3A_52 : i32
      %add3A_54 = arith.addi %mul3A_51, %mul3A_53 : i32
      %run_scoped3A = arith.constant 0 : i32
      "tpu.region"() ({
        %run_scoped3A_55 = tpu.sem_alloc : memref<!tpu.dma_semaphore, #tpu.memory_space<semaphore_mem>>
        %dma_start3A = arith.constant 0 : i32
        %dma_start3A_56 = arith.constant 0 : i32
        %dma_start3A_57 = tpu.memref_slice %arg11[%run_scoped3A, %dma_start3A, %dma_start3A_56] : memref<2x64x128xf32, #tpu.memory_space<vmem>> -> memref<1x64x128xf32, #tpu.memory_space<vmem>>
        %dma_start3A_58 = tpu.memref_squeeze %dma_start3A_57 : memref<1x64x128xf32, #tpu.memory_space<vmem>> -> memref<64x128xf32, #tpu.memory_space<vmem>>
        %dma_start3A_59 = arith.constant 0 : i32
        %dma_start3A_60 = tpu.memref_slice %arg13[%add3A_54, %dma_start3A_59] : memref<10240x128xf32, #tpu.memory_space<vmem_shared>> -> memref<64x128xf32, #tpu.memory_space<vmem_shared>>
        %dma_start3A_61 = arith.constant 0 : i32
        %dma_start3A_62 = tpu.memref_slice %arg13[%add3A_54, %dma_start3A_61] : memref<10240x128xf32, #tpu.memory_space<vmem_shared>> -> memref<64x128xf32, #tpu.memory_space<vmem_shared>>
        %dma_start3A_63 = arith.constant 0 : i32
        %dma_start3A_64 = arith.constant 0 : i32
        %dma_start3A_65 = tpu.memref_slice %arg11[%run_scoped3A, %dma_start3A_63, %dma_start3A_64] : memref<2x64x128xf32, #tpu.memory_space<vmem>> -> memref<1x64x128xf32, #tpu.memory_space<vmem>>
        %dma_start3A_66 = tpu.memref_squeeze %dma_start3A_65 : memref<1x64x128xf32, #tpu.memory_space<vmem>> -> memref<64x128xf32, #tpu.memory_space<vmem>>
        tpu.enqueue_dma source(%dma_start3A_66 : memref<64x128xf32, #tpu.memory_space<vmem>>) target(%dma_start3A_62 : memref<64x128xf32, #tpu.memory_space<vmem_shared>>) target_semaphore(%run_scoped3A_55 : memref<!tpu.dma_semaphore, #tpu.memory_space<semaphore_mem>>)
        %dma_wait3A = arith.constant 0 : i32
        %dma_wait3A_67 = arith.constant 0 : i32
        %dma_wait3A_68 = tpu.memref_slice %arg11[%run_scoped3A, %dma_wait3A, %dma_wait3A_67] : memref<2x64x128xf32, #tpu.memory_space<vmem>> -> memref<1x64x128xf32, #tpu.memory_space<vmem>>
        %dma_wait3A_69 = tpu.memref_squeeze %dma_wait3A_68 : memref<1x64x128xf32, #tpu.memory_space<vmem>> -> memref<64x128xf32, #tpu.memory_space<vmem>>
        %dma_wait3A_70 = arith.constant 0 : i32
        %dma_wait3A_71 = tpu.memref_slice %arg13[%add3A_54, %dma_wait3A_70] : memref<10240x128xf32, #tpu.memory_space<vmem_shared>> -> memref<64x128xf32, #tpu.memory_space<vmem_shared>>
        %dma_wait3A_72 = arith.constant 0 : i32
        %dma_wait3A_73 = tpu.memref_slice %arg13[%add3A_54, %dma_wait3A_72] : memref<10240x128xf32, #tpu.memory_space<vmem_shared>> -> memref<64x128xf32, #tpu.memory_space<vmem_shared>>
        %dma_wait3A_74 = arith.constant 0 : i32
        %dma_wait3A_75 = arith.constant 0 : i32
        %dma_wait3A_76 = tpu.memref_slice %arg11[%run_scoped3A, %dma_wait3A_74, %dma_wait3A_75] : memref<2x64x128xf32, #tpu.memory_space<vmem>> -> memref<1x64x128xf32, #tpu.memory_space<vmem>>
        %dma_wait3A_77 = tpu.memref_squeeze %dma_wait3A_76 : memref<1x64x128xf32, #tpu.memory_space<vmem>> -> memref<64x128xf32, #tpu.memory_space<vmem>>
        tpu.wait_dma2 semaphore(%run_scoped3A_55 : memref<!tpu.dma_semaphore, #tpu.memory_space<semaphore_mem>>) src(%dma_wait3A_77 : memref<64x128xf32, #tpu.memory_space<vmem>>) dst(%dma_wait3A_73 : memref<64x128xf32, #tpu.memory_space<vmem_shared>>)
        tpu.yield
      }) : () -> ()
    }
    %scan3A_16 = arith.constant 10 : i32
    %barrier3A = arith.constant 0 : index
    tpu.barrier barrier_id(%barrier3A)
    %rem3A = arith.constant 0 : i32
    %rem3A_17 = arith.constant 2 : i32
    %rem3A_18 = arith.remsi %rem3A, %rem3A_17 : i32
    "tpu.region"() ({
      %run_scoped3A = tpu.sem_alloc : memref<!tpu.dma_semaphore, #tpu.memory_space<semaphore_mem>>
      %dma_start3A = arith.constant 0 : i32
      %dma_start3A_45 = arith.constant 0 : i32
      %dma_start3A_46 = tpu.memref_slice %arg9[%rem3A_18, %dma_start3A, %dma_start3A_45] : memref<2x8x64xi32, #tpu.memory_space<vmem>> -> memref<1x8x64xi32, #tpu.memory_space<vmem>>
      %dma_start3A_47 = tpu.memref_squeeze %dma_start3A_46 : memref<1x8x64xi32, #tpu.memory_space<vmem>> -> memref<8x64xi32, #tpu.memory_space<vmem>>
      %dma_start3A_48 = arith.constant 0 : i32
      %dma_start3A_49 = arith.constant 0 : i32
      %dma_start3A_50 = tpu.memref_slice %arg4[%arg1, %dma_start3A_48, %dma_start3A_49] : memref<16x160x64xi32, #tpu.memory_space<hbm>> -> memref<1x160x64xi32, #tpu.memory_space<hbm>>
      %dma_start3A_51 = tpu.memref_squeeze %dma_start3A_50 : memref<1x160x64xi32, #tpu.memory_space<hbm>> -> memref<160x64xi32, #tpu.memory_space<hbm>>
      %dma_start3A_52 = arith.constant 0 : i32
      %dma_start3A_53 = arith.constant 0 : i32
      %dma_start3A_54 = tpu.memref_slice %dma_start3A_51[%dma_start3A_52, %dma_start3A_53] : memref<160x64xi32, #tpu.memory_space<hbm>> -> memref<8x64xi32, #tpu.memory_space<hbm>>
      %dma_start3A_55 = arith.constant 0 : i32
      %dma_start3A_56 = arith.constant 0 : i32
      %dma_start3A_57 = tpu.memref_slice %arg9[%rem3A_18, %dma_start3A_55, %dma_start3A_56] : memref<2x8x64xi32, #tpu.memory_space<vmem>> -> memref<1x8x64xi32, #tpu.memory_space<vmem>>
      %dma_start3A_58 = tpu.memref_squeeze %dma_start3A_57 : memref<1x8x64xi32, #tpu.memory_space<vmem>> -> memref<8x64xi32, #tpu.memory_space<vmem>>
      %dma_start3A_59 = arith.constant 0 : i32
      %dma_start3A_60 = arith.constant 0 : i32
      %dma_start3A_61 = tpu.memref_slice %arg4[%arg1, %dma_start3A_59, %dma_start3A_60] : memref<16x160x64xi32, #tpu.memory_space<hbm>> -> memref<1x160x64xi32, #tpu.memory_space<hbm>>
      %dma_start3A_62 = tpu.memref_squeeze %dma_start3A_61 : memref<1x160x64xi32, #tpu.memory_space<hbm>> -> memref<160x64xi32, #tpu.memory_space<hbm>>
      %dma_start3A_63 = arith.constant 0 : i32
      %dma_start3A_64 = arith.constant 0 : i32
      %dma_start3A_65 = tpu.memref_slice %dma_start3A_62[%dma_start3A_63, %dma_start3A_64] : memref<160x64xi32, #tpu.memory_space<hbm>> -> memref<8x64xi32, #tpu.memory_space<hbm>>
      tpu.enqueue_dma source(%dma_start3A_65 : memref<8x64xi32, #tpu.memory_space<hbm>>) target(%dma_start3A_58 : memref<8x64xi32, #tpu.memory_space<vmem>>) target_semaphore(%run_scoped3A : memref<!tpu.dma_semaphore, #tpu.memory_space<semaphore_mem>>)
      %dma_wait3A = arith.constant 0 : i32
      %dma_wait3A_66 = arith.constant 0 : i32
      %dma_wait3A_67 = tpu.memref_slice %arg9[%rem3A_18, %dma_wait3A, %dma_wait3A_66] : memref<2x8x64xi32, #tpu.memory_space<vmem>> -> memref<1x8x64xi32, #tpu.memory_space<vmem>>
      %dma_wait3A_68 = tpu.memref_squeeze %dma_wait3A_67 : memref<1x8x64xi32, #tpu.memory_space<vmem>> -> memref<8x64xi32, #tpu.memory_space<vmem>>
      %dma_wait3A_69 = arith.constant 0 : i32
      %dma_wait3A_70 = arith.constant 0 : i32
      %dma_wait3A_71 = tpu.memref_slice %arg4[%arg1, %dma_wait3A_69, %dma_wait3A_70] : memref<16x160x64xi32, #tpu.memory_space<hbm>> -> memref<1x160x64xi32, #tpu.memory_space<hbm>>
      %dma_wait3A_72 = tpu.memref_squeeze %dma_wait3A_71 : memref<1x160x64xi32, #tpu.memory_space<hbm>> -> memref<160x64xi32, #tpu.memory_space<hbm>>
      %dma_wait3A_73 = arith.constant 0 : i32
      %dma_wait3A_74 = arith.constant 0 : i32
      %dma_wait3A_75 = tpu.memref_slice %dma_wait3A_72[%dma_wait3A_73, %dma_wait3A_74] : memref<160x64xi32, #tpu.memory_space<hbm>> -> memref<8x64xi32, #tpu.memory_space<hbm>>
      %dma_wait3A_76 = arith.constant 0 : i32
      %dma_wait3A_77 = arith.constant 0 : i32
      %dma_wait3A_78 = tpu.memref_slice %arg9[%rem3A_18, %dma_wait3A_76, %dma_wait3A_77] : memref<2x8x64xi32, #tpu.memory_space<vmem>> -> memref<1x8x64xi32, #tpu.memory_space<vmem>>
      %dma_wait3A_79 = tpu.memref_squeeze %dma_wait3A_78 : memref<1x8x64xi32, #tpu.memory_space<vmem>> -> memref<8x64xi32, #tpu.memory_space<vmem>>
      %dma_wait3A_80 = arith.constant 0 : i32
      %dma_wait3A_81 = arith.constant 0 : i32
      %dma_wait3A_82 = tpu.memref_slice %arg4[%arg1, %dma_wait3A_80, %dma_wait3A_81] : memref<16x160x64xi32, #tpu.memory_space<hbm>> -> memref<1x160x64xi32, #tpu.memory_space<hbm>>
      %dma_wait3A_83 = tpu.memref_squeeze %dma_wait3A_82 : memref<1x160x64xi32, #tpu.memory_space<hbm>> -> memref<160x64xi32, #tpu.memory_space<hbm>>
      %dma_wait3A_84 = arith.constant 0 : i32
      %dma_wait3A_85 = arith.constant 0 : i32
      %dma_wait3A_86 = tpu.memref_slice %dma_wait3A_83[%dma_wait3A_84, %dma_wait3A_85] : memref<160x64xi32, #tpu.memory_space<hbm>> -> memref<8x64xi32, #tpu.memory_space<hbm>>
      tpu.wait_dma2 semaphore(%run_scoped3A : memref<!tpu.dma_semaphore, #tpu.memory_space<semaphore_mem>>) src(%dma_wait3A_86 : memref<8x64xi32, #tpu.memory_space<hbm>>) dst(%dma_wait3A_79 : memref<8x64xi32, #tpu.memory_space<vmem>>)
      tpu.yield
    }) : () -> ()
    "tpu.region"() ({
      %run_scoped3A = tpu.sem_alloc : memref<!tpu.dma_semaphore, #tpu.memory_space<semaphore_mem>>
      %dma_start3A = arith.constant 0 : i32
      %dma_start3A_45 = arith.constant 0 : i32
      %dma_start3A_46 = tpu.memref_slice %arg10[%rem3A_18, %dma_start3A, %dma_start3A_45] : memref<2x8x64xi32, #tpu.memory_space<vmem>> -> memref<1x8x64xi32, #tpu.memory_space<vmem>>
      %dma_start3A_47 = tpu.memref_squeeze %dma_start3A_46 : memref<1x8x64xi32, #tpu.memory_space<vmem>> -> memref<8x64xi32, #tpu.memory_space<vmem>>
      %dma_start3A_48 = arith.constant 0 : i32
      %dma_start3A_49 = arith.constant 0 : i32
      %dma_start3A_50 = tpu.memref_slice %arg5[%arg1, %dma_start3A_48, %dma_start3A_49] : memref<16x160x64xi32, #tpu.memory_space<hbm>> -> memref<1x160x64xi32, #tpu.memory_space<hbm>>
      %dma_start3A_51 = tpu.memref_squeeze %dma_start3A_50 : memref<1x160x64xi32, #tpu.memory_space<hbm>> -> memref<160x64xi32, #tpu.memory_space<hbm>>
      %dma_start3A_52 = arith.constant 0 : i32
      %dma_start3A_53 = arith.constant 0 : i32
      %dma_start3A_54 = tpu.memref_slice %dma_start3A_51[%dma_start3A_52, %dma_start3A_53] : memref<160x64xi32, #tpu.memory_space<hbm>> -> memref<8x64xi32, #tpu.memory_space<hbm>>
      %dma_start3A_55 = arith.constant 0 : i32
      %dma_start3A_56 = arith.constant 0 : i32
      %dma_start3A_57 = tpu.memref_slice %arg10[%rem3A_18, %dma_start3A_55, %dma_start3A_56] : memref<2x8x64xi32, #tpu.memory_space<vmem>> -> memref<1x8x64xi32, #tpu.memory_space<vmem>>
      %dma_start3A_58 = tpu.memref_squeeze %dma_start3A_57 : memref<1x8x64xi32, #tpu.memory_space<vmem>> -> memref<8x64xi32, #tpu.memory_space<vmem>>
      %dma_start3A_59 = arith.constant 0 : i32
      %dma_start3A_60 = arith.constant 0 : i32
      %dma_start3A_61 = tpu.memref_slice %arg5[%arg1, %dma_start3A_59, %dma_start3A_60] : memref<16x160x64xi32, #tpu.memory_space<hbm>> -> memref<1x160x64xi32, #tpu.memory_space<hbm>>
      %dma_start3A_62 = tpu.memref_squeeze %dma_start3A_61 : memref<1x160x64xi32, #tpu.memory_space<hbm>> -> memref<160x64xi32, #tpu.memory_space<hbm>>
      %dma_start3A_63 = arith.constant 0 : i32
      %dma_start3A_64 = arith.constant 0 : i32
      %dma_start3A_65 = tpu.memref_slice %dma_start3A_62[%dma_start3A_63, %dma_start3A_64] : memref<160x64xi32, #tpu.memory_space<hbm>> -> memref<8x64xi32, #tpu.memory_space<hbm>>
      tpu.enqueue_dma source(%dma_start3A_65 : memref<8x64xi32, #tpu.memory_space<hbm>>) target(%dma_start3A_58 : memref<8x64xi32, #tpu.memory_space<vmem>>) target_semaphore(%run_scoped3A : memref<!tpu.dma_semaphore, #tpu.memory_space<semaphore_mem>>)
      %dma_wait3A = arith.constant 0 : i32
      %dma_wait3A_66 = arith.constant 0 : i32
      %dma_wait3A_67 = tpu.memref_slice %arg10[%rem3A_18, %dma_wait3A, %dma_wait3A_66] : memref<2x8x64xi32, #tpu.memory_space<vmem>> -> memref<1x8x64xi32, #tpu.memory_space<vmem>>
      %dma_wait3A_68 = tpu.memref_squeeze %dma_wait3A_67 : memref<1x8x64xi32, #tpu.memory_space<vmem>> -> memref<8x64xi32, #tpu.memory_space<vmem>>
      %dma_wait3A_69 = arith.constant 0 : i32
      %dma_wait3A_70 = arith.constant 0 : i32
      %dma_wait3A_71 = tpu.memref_slice %arg5[%arg1, %dma_wait3A_69, %dma_wait3A_70] : memref<16x160x64xi32, #tpu.memory_space<hbm>> -> memref<1x160x64xi32, #tpu.memory_space<hbm>>
      %dma_wait3A_72 = tpu.memref_squeeze %dma_wait3A_71 : memref<1x160x64xi32, #tpu.memory_space<hbm>> -> memref<160x64xi32, #tpu.memory_space<hbm>>
      %dma_wait3A_73 = arith.constant 0 : i32
      %dma_wait3A_74 = arith.constant 0 : i32
      %dma_wait3A_75 = tpu.memref_slice %dma_wait3A_72[%dma_wait3A_73, %dma_wait3A_74] : memref<160x64xi32, #tpu.memory_space<hbm>> -> memref<8x64xi32, #tpu.memory_space<hbm>>
      %dma_wait3A_76 = arith.constant 0 : i32
      %dma_wait3A_77 = arith.constant 0 : i32
      %dma_wait3A_78 = tpu.memref_slice %arg10[%rem3A_18, %dma_wait3A_76, %dma_wait3A_77] : memref<2x8x64xi32, #tpu.memory_space<vmem>> -> memref<1x8x64xi32, #tpu.memory_space<vmem>>
      %dma_wait3A_79 = tpu.memref_squeeze %dma_wait3A_78 : memref<1x8x64xi32, #tpu.memory_space<vmem>> -> memref<8x64xi32, #tpu.memory_space<vmem>>
      %dma_wait3A_80 = arith.constant 0 : i32
      %dma_wait3A_81 = arith.constant 0 : i32
      %dma_wait3A_82 = tpu.memref_slice %arg5[%arg1, %dma_wait3A_80, %dma_wait3A_81] : memref<16x160x64xi32, #tpu.memory_space<hbm>> -> memref<1x160x64xi32, #tpu.memory_space<hbm>>
      %dma_wait3A_83 = tpu.memref_squeeze %dma_wait3A_82 : memref<1x160x64xi32, #tpu.memory_space<hbm>> -> memref<160x64xi32, #tpu.memory_space<hbm>>
      %dma_wait3A_84 = arith.constant 0 : i32
      %dma_wait3A_85 = arith.constant 0 : i32
      %dma_wait3A_86 = tpu.memref_slice %dma_wait3A_83[%dma_wait3A_84, %dma_wait3A_85] : memref<160x64xi32, #tpu.memory_space<hbm>> -> memref<8x64xi32, #tpu.memory_space<hbm>>
      tpu.wait_dma2 semaphore(%run_scoped3A : memref<!tpu.dma_semaphore, #tpu.memory_space<semaphore_mem>>) src(%dma_wait3A_86 : memref<8x64xi32, #tpu.memory_space<hbm>>) dst(%dma_wait3A_79 : memref<8x64xi32, #tpu.memory_space<vmem>>)
      tpu.yield
    }) : () -> ()
    %eq3A = arith.constant 0 : i32
    %eq3A_19 = arith.cmpi eq, %arg0, %eq3A : i32
    %convert_element_type3A = arith.extui %eq3A_19 : i1 to i32
    %cond3A = arith.constant 0 : i32
    %cond3A_20 = arith.cmpi ne, %convert_element_type3A, %cond3A : i32
    scf.if %cond3A_20 {
      %rem3A_45 = arith.constant 0 : i32
      %rem3A_46 = arith.constant 2 : i32
      %rem3A_47 = arith.remsi %rem3A_45, %rem3A_46 : i32
      %rem3A_48 = arith.constant 0 : i32
      %rem3A_49 = arith.constant 8 : i32
      %rem3A_50 = arith.remsi %rem3A_48, %rem3A_49 : i32
      %dma_start3A = arith.constant 0 : i32
      %dma_start3A_51 = arith.constant 0 : i32
      %dma_start3A_52 = arith.constant 0 : i32
      %dma_start3A_53 = tpu.memref_slice %arg11[%dma_start3A, %dma_start3A_51, %dma_start3A_52] : memref<2x64x128xf32, #tpu.memory_space<vmem>> -> memref<1x64x128xf32, #tpu.memory_space<vmem>>
      %dma_start3A_54 = tpu.memref_squeeze %dma_start3A_53 : memref<1x64x128xf32, #tpu.memory_space<vmem>> -> memref<64x128xf32, #tpu.memory_space<vmem>>
      %dma_start3A_55 = arith.constant 0 : i32
      %dma_start3A_56 = arith.constant 0 : i32
      %dma_start3A_57 = tpu.memref_slice %arg9[%rem3A_47, %dma_start3A_55, %dma_start3A_56] : memref<2x8x64xi32, #tpu.memory_space<vmem>> -> memref<1x8x64xi32, #tpu.memory_space<vmem>>
      %dma_start3A_58 = tpu.memref_squeeze %dma_start3A_57 : memref<1x8x64xi32, #tpu.memory_space<vmem>> -> memref<8x64xi32, #tpu.memory_space<vmem>>
      %dma_start3A_59 = arith.constant 0 : i32
      %dma_start3A_60 = tpu.memref_slice %dma_start3A_58[%rem3A_50, %dma_start3A_59] : memref<8x64xi32, #tpu.memory_space<vmem>> -> memref<1x64xi32, #tpu.memory_space<vmem>>
      %dma_start3A_61 = tpu.memref_squeeze %dma_start3A_60 : memref<1x64xi32, #tpu.memory_space<vmem>> -> memref<64xi32, #tpu.memory_space<vmem>>
      %dma_start3A_62 = arith.constant 0 : i32
      %dma_start3A_63 = arith.constant 0 : i32
      %dma_start3A_64 = tpu.memref_slice %arg2[%dma_start3A_62, %dma_start3A_63] : memref<10000x128xf32, #tpu.memory_space<hbm>> -> memref<10000x128xf32, #tpu.memory_space<hbm>>
      tpu.enqueue_indirect_dma source(%dma_start3A_64 : memref<10000x128xf32, #tpu.memory_space<hbm>>) target(%dma_start3A_54 : memref<64x128xf32, #tpu.memory_space<vmem>>) offsets(%dma_start3A_61 : memref<64xi32, #tpu.memory_space<vmem>>) semaphore(%arg14 : memref<!tpu.dma_semaphore, #tpu.memory_space<semaphore_mem>>)
    } else {
    }
    %eq3A_21 = arith.constant 1 : i32
    %eq3A_22 = arith.cmpi eq, %arg0, %eq3A_21 : i32
    %convert_element_type3A_23 = arith.extui %eq3A_22 : i1 to i32
    %cond3A_24 = arith.constant 0 : i32
    %cond3A_25 = arith.cmpi ne, %convert_element_type3A_23, %cond3A_24 : i32
    scf.if %cond3A_25 {
      %rem3A_45 = arith.constant 0 : i32
      %rem3A_46 = arith.constant 2 : i32
      %rem3A_47 = arith.remsi %rem3A_45, %rem3A_46 : i32
      %rem3A_48 = arith.constant 0 : i32
      %rem3A_49 = arith.constant 8 : i32
      %rem3A_50 = arith.remsi %rem3A_48, %rem3A_49 : i32
      %dma_start3A = arith.constant 0 : i32
      %dma_start3A_51 = arith.constant 0 : i32
      %dma_start3A_52 = arith.constant 0 : i32
      %dma_start3A_53 = tpu.memref_slice %arg11[%dma_start3A, %dma_start3A_51, %dma_start3A_52] : memref<2x64x128xf32, #tpu.memory_space<vmem>> -> memref<1x64x128xf32, #tpu.memory_space<vmem>>
      %dma_start3A_54 = tpu.memref_squeeze %dma_start3A_53 : memref<1x64x128xf32, #tpu.memory_space<vmem>> -> memref<64x128xf32, #tpu.memory_space<vmem>>
      %dma_start3A_55 = arith.constant 0 : i32
      %dma_start3A_56 = arith.constant 0 : i32
      %dma_start3A_57 = tpu.memref_slice %arg9[%rem3A_47, %dma_start3A_55, %dma_start3A_56] : memref<2x8x64xi32, #tpu.memory_space<vmem>> -> memref<1x8x64xi32, #tpu.memory_space<vmem>>
      %dma_start3A_58 = tpu.memref_squeeze %dma_start3A_57 : memref<1x8x64xi32, #tpu.memory_space<vmem>> -> memref<8x64xi32, #tpu.memory_space<vmem>>
      %dma_start3A_59 = arith.constant 0 : i32
      %dma_start3A_60 = tpu.memref_slice %dma_start3A_58[%rem3A_50, %dma_start3A_59] : memref<8x64xi32, #tpu.memory_space<vmem>> -> memref<1x64xi32, #tpu.memory_space<vmem>>
      %dma_start3A_61 = tpu.memref_squeeze %dma_start3A_60 : memref<1x64xi32, #tpu.memory_space<vmem>> -> memref<64xi32, #tpu.memory_space<vmem>>
      %dma_start3A_62 = arith.constant 0 : i32
      %dma_start3A_63 = arith.constant 0 : i32
      %dma_start3A_64 = tpu.memref_slice %arg3[%dma_start3A_62, %dma_start3A_63] : memref<10000x128xf32, #tpu.memory_space<hbm>> -> memref<10000x128xf32, #tpu.memory_space<hbm>>
      tpu.enqueue_indirect_dma source(%dma_start3A_64 : memref<10000x128xf32, #tpu.memory_space<hbm>>) target(%dma_start3A_54 : memref<64x128xf32, #tpu.memory_space<vmem>>) offsets(%dma_start3A_61 : memref<64xi32, #tpu.memory_space<vmem>>) semaphore(%arg14 : memref<!tpu.dma_semaphore, #tpu.memory_space<semaphore_mem>>)
    } else {
    }
    %scan3A_26 = arith.constant 0 : i32
    %scan3A_27 = arith.constant 80 : i32
    %scan3A_28 = arith.addi %scan3A_26, %scan3A_27 : i32
    %scan3A_29 = arith.constant 1 : i32
    scf.for %scan3A_45 = %scan3A_26 to %scan3A_28 step %scan3A_29  : i32 {
      %mul3A_46 = arith.constant 1 : i32
      %mul3A_47 = arith.muli %scan3A_45, %mul3A_46 : i32
      %add3A_48 = arith.constant 0 : i32
      %add3A_49 = arith.addi %add3A_48, %mul3A_47 : i32
      %mul3A_50 = arith.constant 2 : i32
      %mul3A_51 = arith.muli %mul3A_50, %add3A_49 : i32
      %add3A_52 = arith.constant 1 : i32
      %add3A_53 = arith.addi %mul3A_51, %add3A_52 : i32
      %add3A_54 = arith.constant 2 : i32
      %add3A_55 = arith.addi %mul3A_51, %add3A_54 : i32
      %rem3A_56 = arith.constant 8 : i32
      %rem3A_57 = arith.remsi %add3A_53, %rem3A_56 : i32
      %eq3A_58 = arith.constant 0 : i32
      %eq3A_59 = arith.cmpi eq, %rem3A_57, %eq3A_58 : i32
      %convert_element_type3A_60 = arith.extui %eq3A_59 : i1 to i32
      %cond3A_61 = arith.constant 0 : i32
      %cond3A_62 = arith.cmpi ne, %convert_element_type3A_60, %cond3A_61 : i32
      scf.if %cond3A_62 {
        %jit3A_168 = arith.constant 8 : i32
        %div3A_169 = arith.divsi %add3A_53, %jit3A_168 : i32
        %sign3A_170 = arith.constant 0 : i32
        %sign3A_171 = arith.cmpi sgt, %add3A_53, %sign3A_170 : i32
        %sign3A_172 = arith.extui %sign3A_171 : i1 to i32
        %sign3A_173 = arith.constant 0 : i32
        %sign3A_174 = arith.cmpi slt, %add3A_53, %sign3A_173 : i32
        %sign3A_175 = arith.extui %sign3A_174 : i1 to i32
        %sign3A_176 = arith.subi %sign3A_172, %sign3A_175 : i32
        %sign3A_177 = arith.constant 0 : i32
        %sign3A_178 = arith.cmpi sgt, %jit3A_168, %sign3A_177 : i32
        %sign3A_179 = arith.extui %sign3A_178 : i1 to i32
        %sign3A_180 = arith.constant 0 : i32
        %sign3A_181 = arith.cmpi slt, %jit3A_168, %sign3A_180 : i32
        %sign3A_182 = arith.extui %sign3A_181 : i1 to i32
        %sign3A_183 = arith.subi %sign3A_179, %sign3A_182 : i32
        %ne3A_184 = arith.cmpi ne, %sign3A_176, %sign3A_183 : i32
        %rem3A_185 = arith.remsi %add3A_53, %jit3A_168 : i32
        %ne3A_186 = arith.constant 0 : i32
        %ne3A_187 = arith.cmpi ne, %rem3A_185, %ne3A_186 : i32
        %and3A_188 = arith.andi %ne3A_184, %ne3A_187 : i1
        %sub3A_189 = arith.constant 1 : i32
        %sub3A_190 = arith.subi %div3A_169, %sub3A_189 : i32
        %select_n3A_191 = arith.select %and3A_188, %sub3A_190, %div3A_169 : i32
        %rem3A_192 = arith.constant 2 : i32
        %rem3A_193 = arith.remsi %select_n3A_191, %rem3A_192 : i32
        %mul3A_194 = arith.constant 8 : i32
        %mul3A_195 = arith.muli %select_n3A_191, %mul3A_194 : i32
        "tpu.region"() ({
          %run_scoped3A_198 = tpu.sem_alloc : memref<!tpu.dma_semaphore, #tpu.memory_space<semaphore_mem>>
          %dma_start3A = arith.constant 0 : i32
          %dma_start3A_199 = arith.constant 0 : i32
          %dma_start3A_200 = tpu.memref_slice %arg9[%rem3A_193, %dma_start3A, %dma_start3A_199] : memref<2x8x64xi32, #tpu.memory_space<vmem>> -> memref<1x8x64xi32, #tpu.memory_space<vmem>>
          %dma_start3A_201 = tpu.memref_squeeze %dma_start3A_200 : memref<1x8x64xi32, #tpu.memory_space<vmem>> -> memref<8x64xi32, #tpu.memory_space<vmem>>
          %dma_start3A_202 = arith.constant 0 : i32
          %dma_start3A_203 = arith.constant 0 : i32
          %dma_start3A_204 = tpu.memref_slice %arg4[%arg1, %dma_start3A_202, %dma_start3A_203] : memref<16x160x64xi32, #tpu.memory_space<hbm>> -> memref<1x160x64xi32, #tpu.memory_space<hbm>>
          %dma_start3A_205 = tpu.memref_squeeze %dma_start3A_204 : memref<1x160x64xi32, #tpu.memory_space<hbm>> -> memref<160x64xi32, #tpu.memory_space<hbm>>
          %dma_start3A_206 = arith.constant 0 : i32
          %dma_start3A_207 = tpu.memref_slice %dma_start3A_205[%mul3A_195, %dma_start3A_206] : memref<160x64xi32, #tpu.memory_space<hbm>> -> memref<8x64xi32, #tpu.memory_space<hbm>>
          %dma_start3A_208 = arith.constant 0 : i32
          %dma_start3A_209 = arith.constant 0 : i32
          %dma_start3A_210 = tpu.memref_slice %arg9[%rem3A_193, %dma_start3A_208, %dma_start3A_209] : memref<2x8x64xi32, #tpu.memory_space<vmem>> -> memref<1x8x64xi32, #tpu.memory_space<vmem>>
          %dma_start3A_211 = tpu.memref_squeeze %dma_start3A_210 : memref<1x8x64xi32, #tpu.memory_space<vmem>> -> memref<8x64xi32, #tpu.memory_space<vmem>>
          %dma_start3A_212 = arith.constant 0 : i32
          %dma_start3A_213 = arith.constant 0 : i32
          %dma_start3A_214 = tpu.memref_slice %arg4[%arg1, %dma_start3A_212, %dma_start3A_213] : memref<16x160x64xi32, #tpu.memory_space<hbm>> -> memref<1x160x64xi32, #tpu.memory_space<hbm>>
          %dma_start3A_215 = tpu.memref_squeeze %dma_start3A_214 : memref<1x160x64xi32, #tpu.memory_space<hbm>> -> memref<160x64xi32, #tpu.memory_space<hbm>>
          %dma_start3A_216 = arith.constant 0 : i32
          %dma_start3A_217 = tpu.memref_slice %dma_start3A_215[%mul3A_195, %dma_start3A_216] : memref<160x64xi32, #tpu.memory_space<hbm>> -> memref<8x64xi32, #tpu.memory_space<hbm>>
          tpu.enqueue_dma source(%dma_start3A_217 : memref<8x64xi32, #tpu.memory_space<hbm>>) target(%dma_start3A_211 : memref<8x64xi32, #tpu.memory_space<vmem>>) target_semaphore(%run_scoped3A_198 : memref<!tpu.dma_semaphore, #tpu.memory_space<semaphore_mem>>)
          %dma_wait3A_218 = arith.constant 0 : i32
          %dma_wait3A_219 = arith.constant 0 : i32
          %dma_wait3A_220 = tpu.memref_slice %arg9[%rem3A_193, %dma_wait3A_218, %dma_wait3A_219] : memref<2x8x64xi32, #tpu.memory_space<vmem>> -> memref<1x8x64xi32, #tpu.memory_space<vmem>>
          %dma_wait3A_221 = tpu.memref_squeeze %dma_wait3A_220 : memref<1x8x64xi32, #tpu.memory_space<vmem>> -> memref<8x64xi32, #tpu.memory_space<vmem>>
          %dma_wait3A_222 = arith.constant 0 : i32
          %dma_wait3A_223 = arith.constant 0 : i32
          %dma_wait3A_224 = tpu.memref_slice %arg4[%arg1, %dma_wait3A_222, %dma_wait3A_223] : memref<16x160x64xi32, #tpu.memory_space<hbm>> -> memref<1x160x64xi32, #tpu.memory_space<hbm>>
          %dma_wait3A_225 = tpu.memref_squeeze %dma_wait3A_224 : memref<1x160x64xi32, #tpu.memory_space<hbm>> -> memref<160x64xi32, #tpu.memory_space<hbm>>
          %dma_wait3A_226 = arith.constant 0 : i32
          %dma_wait3A_227 = tpu.memref_slice %dma_wait3A_225[%mul3A_195, %dma_wait3A_226] : memref<160x64xi32, #tpu.memory_space<hbm>> -> memref<8x64xi32, #tpu.memory_space<hbm>>
          %dma_wait3A_228 = arith.constant 0 : i32
          %dma_wait3A_229 = arith.constant 0 : i32
          %dma_wait3A_230 = tpu.memref_slice %arg9[%rem3A_193, %dma_wait3A_228, %dma_wait3A_229] : memref<2x8x64xi32, #tpu.memory_space<vmem>> -> memref<1x8x64xi32, #tpu.memory_space<vmem>>
          %dma_wait3A_231 = tpu.memref_squeeze %dma_wait3A_230 : memref<1x8x64xi32, #tpu.memory_space<vmem>> -> memref<8x64xi32, #tpu.memory_space<vmem>>
          %dma_wait3A_232 = arith.constant 0 : i32
          %dma_wait3A_233 = arith.constant 0 : i32
          %dma_wait3A_234 = tpu.memref_slice %arg4[%arg1, %dma_wait3A_232, %dma_wait3A_233] : memref<16x160x64xi32, #tpu.memory_space<hbm>> -> memref<1x160x64xi32, #tpu.memory_space<hbm>>
          %dma_wait3A_235 = tpu.memref_squeeze %dma_wait3A_234 : memref<1x160x64xi32, #tpu.memory_space<hbm>> -> memref<160x64xi32, #tpu.memory_space<hbm>>
          %dma_wait3A_236 = arith.constant 0 : i32
          %dma_wait3A_237 = tpu.memref_slice %dma_wait3A_235[%mul3A_195, %dma_wait3A_236] : memref<160x64xi32, #tpu.memory_space<hbm>> -> memref<8x64xi32, #tpu.memory_space<hbm>>
          tpu.wait_dma2 semaphore(%run_scoped3A_198 : memref<!tpu.dma_semaphore, #tpu.memory_space<semaphore_mem>>) src(%dma_wait3A_237 : memref<8x64xi32, #tpu.memory_space<hbm>>) dst(%dma_wait3A_231 : memref<8x64xi32, #tpu.memory_space<vmem>>)
          tpu.yield
        }) : () -> ()
        %mul3A_196 = arith.constant 8 : i32
        %mul3A_197 = arith.muli %select_n3A_191, %mul3A_196 : i32
        "tpu.region"() ({
          %run_scoped3A_198 = tpu.sem_alloc : memref<!tpu.dma_semaphore, #tpu.memory_space<semaphore_mem>>
          %dma_start3A = arith.constant 0 : i32
          %dma_start3A_199 = arith.constant 0 : i32
          %dma_start3A_200 = tpu.memref_slice %arg10[%rem3A_193, %dma_start3A, %dma_start3A_199] : memref<2x8x64xi32, #tpu.memory_space<vmem>> -> memref<1x8x64xi32, #tpu.memory_space<vmem>>
          %dma_start3A_201 = tpu.memref_squeeze %dma_start3A_200 : memref<1x8x64xi32, #tpu.memory_space<vmem>> -> memref<8x64xi32, #tpu.memory_space<vmem>>
          %dma_start3A_202 = arith.constant 0 : i32
          %dma_start3A_203 = arith.constant 0 : i32
          %dma_start3A_204 = tpu.memref_slice %arg5[%arg1, %dma_start3A_202, %dma_start3A_203] : memref<16x160x64xi32, #tpu.memory_space<hbm>> -> memref<1x160x64xi32, #tpu.memory_space<hbm>>
          %dma_start3A_205 = tpu.memref_squeeze %dma_start3A_204 : memref<1x160x64xi32, #tpu.memory_space<hbm>> -> memref<160x64xi32, #tpu.memory_space<hbm>>
          %dma_start3A_206 = arith.constant 0 : i32
          %dma_start3A_207 = tpu.memref_slice %dma_start3A_205[%mul3A_197, %dma_start3A_206] : memref<160x64xi32, #tpu.memory_space<hbm>> -> memref<8x64xi32, #tpu.memory_space<hbm>>
          %dma_start3A_208 = arith.constant 0 : i32
          %dma_start3A_209 = arith.constant 0 : i32
          %dma_start3A_210 = tpu.memref_slice %arg10[%rem3A_193, %dma_start3A_208, %dma_start3A_209] : memref<2x8x64xi32, #tpu.memory_space<vmem>> -> memref<1x8x64xi32, #tpu.memory_space<vmem>>
          %dma_start3A_211 = tpu.memref_squeeze %dma_start3A_210 : memref<1x8x64xi32, #tpu.memory_space<vmem>> -> memref<8x64xi32, #tpu.memory_space<vmem>>
          %dma_start3A_212 = arith.constant 0 : i32
          %dma_start3A_213 = arith.constant 0 : i32
          %dma_start3A_214 = tpu.memref_slice %arg5[%arg1, %dma_start3A_212, %dma_start3A_213] : memref<16x160x64xi32, #tpu.memory_space<hbm>> -> memref<1x160x64xi32, #tpu.memory_space<hbm>>
          %dma_start3A_215 = tpu.memref_squeeze %dma_start3A_214 : memref<1x160x64xi32, #tpu.memory_space<hbm>> -> memref<160x64xi32, #tpu.memory_space<hbm>>
          %dma_start3A_216 = arith.constant 0 : i32
          %dma_start3A_217 = tpu.memref_slice %dma_start3A_215[%mul3A_197, %dma_start3A_216] : memref<160x64xi32, #tpu.memory_space<hbm>> -> memref<8x64xi32, #tpu.memory_space<hbm>>
          tpu.enqueue_dma source(%dma_start3A_217 : memref<8x64xi32, #tpu.memory_space<hbm>>) target(%dma_start3A_211 : memref<8x64xi32, #tpu.memory_space<vmem>>) target_semaphore(%run_scoped3A_198 : memref<!tpu.dma_semaphore, #tpu.memory_space<semaphore_mem>>)
          %dma_wait3A_218 = arith.constant 0 : i32
          %dma_wait3A_219 = arith.constant 0 : i32
          %dma_wait3A_220 = tpu.memref_slice %arg10[%rem3A_193, %dma_wait3A_218, %dma_wait3A_219] : memref<2x8x64xi32, #tpu.memory_space<vmem>> -> memref<1x8x64xi32, #tpu.memory_space<vmem>>
          %dma_wait3A_221 = tpu.memref_squeeze %dma_wait3A_220 : memref<1x8x64xi32, #tpu.memory_space<vmem>> -> memref<8x64xi32, #tpu.memory_space<vmem>>
          %dma_wait3A_222 = arith.constant 0 : i32
          %dma_wait3A_223 = arith.constant 0 : i32
          %dma_wait3A_224 = tpu.memref_slice %arg5[%arg1, %dma_wait3A_222, %dma_wait3A_223] : memref<16x160x64xi32, #tpu.memory_space<hbm>> -> memref<1x160x64xi32, #tpu.memory_space<hbm>>
          %dma_wait3A_225 = tpu.memref_squeeze %dma_wait3A_224 : memref<1x160x64xi32, #tpu.memory_space<hbm>> -> memref<160x64xi32, #tpu.memory_space<hbm>>
          %dma_wait3A_226 = arith.constant 0 : i32
          %dma_wait3A_227 = tpu.memref_slice %dma_wait3A_225[%mul3A_197, %dma_wait3A_226] : memref<160x64xi32, #tpu.memory_space<hbm>> -> memref<8x64xi32, #tpu.memory_space<hbm>>
          %dma_wait3A_228 = arith.constant 0 : i32
          %dma_wait3A_229 = arith.constant 0 : i32
          %dma_wait3A_230 = tpu.memref_slice %arg10[%rem3A_193, %dma_wait3A_228, %dma_wait3A_229] : memref<2x8x64xi32, #tpu.memory_space<vmem>> -> memref<1x8x64xi32, #tpu.memory_space<vmem>>
          %dma_wait3A_231 = tpu.memref_squeeze %dma_wait3A_230 : memref<1x8x64xi32, #tpu.memory_space<vmem>> -> memref<8x64xi32, #tpu.memory_space<vmem>>
          %dma_wait3A_232 = arith.constant 0 : i32
          %dma_wait3A_233 = arith.constant 0 : i32
          %dma_wait3A_234 = tpu.memref_slice %arg5[%arg1, %dma_wait3A_232, %dma_wait3A_233] : memref<16x160x64xi32, #tpu.memory_space<hbm>> -> memref<1x160x64xi32, #tpu.memory_space<hbm>>
          %dma_wait3A_235 = tpu.memref_squeeze %dma_wait3A_234 : memref<1x160x64xi32, #tpu.memory_space<hbm>> -> memref<160x64xi32, #tpu.memory_space<hbm>>
          %dma_wait3A_236 = arith.constant 0 : i32
          %dma_wait3A_237 = tpu.memref_slice %dma_wait3A_235[%mul3A_197, %dma_wait3A_236] : memref<160x64xi32, #tpu.memory_space<hbm>> -> memref<8x64xi32, #tpu.memory_space<hbm>>
          tpu.wait_dma2 semaphore(%run_scoped3A_198 : memref<!tpu.dma_semaphore, #tpu.memory_space<semaphore_mem>>) src(%dma_wait3A_237 : memref<8x64xi32, #tpu.memory_space<hbm>>) dst(%dma_wait3A_231 : memref<8x64xi32, #tpu.memory_space<vmem>>)
          tpu.yield
        }) : () -> ()
      } else {
      }
      %eq3A_63 = arith.constant 0 : i32
      %eq3A_64 = arith.cmpi eq, %arg0, %eq3A_63 : i32
      %convert_element_type3A_65 = arith.extui %eq3A_64 : i1 to i32
      %cond3A_66 = arith.constant 0 : i32
      %cond3A_67 = arith.cmpi ne, %convert_element_type3A_65, %cond3A_66 : i32
      scf.if %cond3A_67 {
        %jit3A_168 = arith.constant 8 : i32
        %div3A_169 = arith.divsi %add3A_53, %jit3A_168 : i32
        %sign3A_170 = arith.constant 0 : i32
        %sign3A_171 = arith.cmpi sgt, %add3A_53, %sign3A_170 : i32
        %sign3A_172 = arith.extui %sign3A_171 : i1 to i32
        %sign3A_173 = arith.constant 0 : i32
        %sign3A_174 = arith.cmpi slt, %add3A_53, %sign3A_173 : i32
        %sign3A_175 = arith.extui %sign3A_174 : i1 to i32
        %sign3A_176 = arith.subi %sign3A_172, %sign3A_175 : i32
        %sign3A_177 = arith.constant 0 : i32
        %sign3A_178 = arith.cmpi sgt, %jit3A_168, %sign3A_177 : i32
        %sign3A_179 = arith.extui %sign3A_178 : i1 to i32
        %sign3A_180 = arith.constant 0 : i32
        %sign3A_181 = arith.cmpi slt, %jit3A_168, %sign3A_180 : i32
        %sign3A_182 = arith.extui %sign3A_181 : i1 to i32
        %sign3A_183 = arith.subi %sign3A_179, %sign3A_182 : i32
        %ne3A_184 = arith.cmpi ne, %sign3A_176, %sign3A_183 : i32
        %rem3A_185 = arith.remsi %add3A_53, %jit3A_168 : i32
        %ne3A_186 = arith.constant 0 : i32
        %ne3A_187 = arith.cmpi ne, %rem3A_185, %ne3A_186 : i32
        %and3A_188 = arith.andi %ne3A_184, %ne3A_187 : i1
        %sub3A_189 = arith.constant 1 : i32
        %sub3A_190 = arith.subi %div3A_169, %sub3A_189 : i32
        %select_n3A_191 = arith.select %and3A_188, %sub3A_190, %div3A_169 : i32
        %rem3A_192 = arith.constant 2 : i32
        %rem3A_193 = arith.remsi %select_n3A_191, %rem3A_192 : i32
        %rem3A_194 = arith.constant 8 : i32
        %rem3A_195 = arith.remsi %add3A_53, %rem3A_194 : i32
        %dma_start3A = arith.constant 1 : i32
        %dma_start3A_196 = arith.constant 0 : i32
        %dma_start3A_197 = arith.constant 0 : i32
        %dma_start3A_198 = tpu.memref_slice %arg11[%dma_start3A, %dma_start3A_196, %dma_start3A_197] : memref<2x64x128xf32, #tpu.memory_space<vmem>> -> memref<1x64x128xf32, #tpu.memory_space<vmem>>
        %dma_start3A_199 = tpu.memref_squeeze %dma_start3A_198 : memref<1x64x128xf32, #tpu.memory_space<vmem>> -> memref<64x128xf32, #tpu.memory_space<vmem>>
        %dma_start3A_200 = arith.constant 0 : i32
        %dma_start3A_201 = arith.constant 0 : i32
        %dma_start3A_202 = tpu.memref_slice %arg9[%rem3A_193, %dma_start3A_200, %dma_start3A_201] : memref<2x8x64xi32, #tpu.memory_space<vmem>> -> memref<1x8x64xi32, #tpu.memory_space<vmem>>
        %dma_start3A_203 = tpu.memref_squeeze %dma_start3A_202 : memref<1x8x64xi32, #tpu.memory_space<vmem>> -> memref<8x64xi32, #tpu.memory_space<vmem>>
        %dma_start3A_204 = arith.constant 0 : i32
        %dma_start3A_205 = tpu.memref_slice %dma_start3A_203[%rem3A_195, %dma_start3A_204] : memref<8x64xi32, #tpu.memory_space<vmem>> -> memref<1x64xi32, #tpu.memory_space<vmem>>
        %dma_start3A_206 = tpu.memref_squeeze %dma_start3A_205 : memref<1x64xi32, #tpu.memory_space<vmem>> -> memref<64xi32, #tpu.memory_space<vmem>>
        %dma_start3A_207 = arith.constant 0 : i32
        %dma_start3A_208 = arith.constant 0 : i32
        %dma_start3A_209 = tpu.memref_slice %arg2[%dma_start3A_207, %dma_start3A_208] : memref<10000x128xf32, #tpu.memory_space<hbm>> -> memref<10000x128xf32, #tpu.memory_space<hbm>>
        tpu.enqueue_indirect_dma source(%dma_start3A_209 : memref<10000x128xf32, #tpu.memory_space<hbm>>) target(%dma_start3A_199 : memref<64x128xf32, #tpu.memory_space<vmem>>) offsets(%dma_start3A_206 : memref<64xi32, #tpu.memory_space<vmem>>) semaphore(%arg15 : memref<!tpu.dma_semaphore, #tpu.memory_space<semaphore_mem>>)
      } else {
      }
      %eq3A_68 = arith.constant 1 : i32
      %eq3A_69 = arith.cmpi eq, %arg0, %eq3A_68 : i32
      %convert_element_type3A_70 = arith.extui %eq3A_69 : i1 to i32
      %cond3A_71 = arith.constant 0 : i32
      %cond3A_72 = arith.cmpi ne, %convert_element_type3A_70, %cond3A_71 : i32
      scf.if %cond3A_72 {
        %jit3A_168 = arith.constant 8 : i32
        %div3A_169 = arith.divsi %add3A_53, %jit3A_168 : i32
        %sign3A_170 = arith.constant 0 : i32
        %sign3A_171 = arith.cmpi sgt, %add3A_53, %sign3A_170 : i32
        %sign3A_172 = arith.extui %sign3A_171 : i1 to i32
        %sign3A_173 = arith.constant 0 : i32
        %sign3A_174 = arith.cmpi slt, %add3A_53, %sign3A_173 : i32
        %sign3A_175 = arith.extui %sign3A_174 : i1 to i32
        %sign3A_176 = arith.subi %sign3A_172, %sign3A_175 : i32
        %sign3A_177 = arith.constant 0 : i32
        %sign3A_178 = arith.cmpi sgt, %jit3A_168, %sign3A_177 : i32
        %sign3A_179 = arith.extui %sign3A_178 : i1 to i32
        %sign3A_180 = arith.constant 0 : i32
        %sign3A_181 = arith.cmpi slt, %jit3A_168, %sign3A_180 : i32
        %sign3A_182 = arith.extui %sign3A_181 : i1 to i32
        %sign3A_183 = arith.subi %sign3A_179, %sign3A_182 : i32
        %ne3A_184 = arith.cmpi ne, %sign3A_176, %sign3A_183 : i32
        %rem3A_185 = arith.remsi %add3A_53, %jit3A_168 : i32
        %ne3A_186 = arith.constant 0 : i32
        %ne3A_187 = arith.cmpi ne, %rem3A_185, %ne3A_186 : i32
        %and3A_188 = arith.andi %ne3A_184, %ne3A_187 : i1
        %sub3A_189 = arith.constant 1 : i32
        %sub3A_190 = arith.subi %div3A_169, %sub3A_189 : i32
        %select_n3A_191 = arith.select %and3A_188, %sub3A_190, %div3A_169 : i32
        %rem3A_192 = arith.constant 2 : i32
        %rem3A_193 = arith.remsi %select_n3A_191, %rem3A_192 : i32
        %rem3A_194 = arith.constant 8 : i32
        %rem3A_195 = arith.remsi %add3A_53, %rem3A_194 : i32
        %dma_start3A = arith.constant 1 : i32
        %dma_start3A_196 = arith.constant 0 : i32
        %dma_start3A_197 = arith.constant 0 : i32
        %dma_start3A_198 = tpu.memref_slice %arg11[%dma_start3A, %dma_start3A_196, %dma_start3A_197] : memref<2x64x128xf32, #tpu.memory_space<vmem>> -> memref<1x64x128xf32, #tpu.memory_space<vmem>>
        %dma_start3A_199 = tpu.memref_squeeze %dma_start3A_198 : memref<1x64x128xf32, #tpu.memory_space<vmem>> -> memref<64x128xf32, #tpu.memory_space<vmem>>
        %dma_start3A_200 = arith.constant 0 : i32
        %dma_start3A_201 = arith.constant 0 : i32
        %dma_start3A_202 = tpu.memref_slice %arg9[%rem3A_193, %dma_start3A_200, %dma_start3A_201] : memref<2x8x64xi32, #tpu.memory_space<vmem>> -> memref<1x8x64xi32, #tpu.memory_space<vmem>>
        %dma_start3A_203 = tpu.memref_squeeze %dma_start3A_202 : memref<1x8x64xi32, #tpu.memory_space<vmem>> -> memref<8x64xi32, #tpu.memory_space<vmem>>
        %dma_start3A_204 = arith.constant 0 : i32
        %dma_start3A_205 = tpu.memref_slice %dma_start3A_203[%rem3A_195, %dma_start3A_204] : memref<8x64xi32, #tpu.memory_space<vmem>> -> memref<1x64xi32, #tpu.memory_space<vmem>>
        %dma_start3A_206 = tpu.memref_squeeze %dma_start3A_205 : memref<1x64xi32, #tpu.memory_space<vmem>> -> memref<64xi32, #tpu.memory_space<vmem>>
        %dma_start3A_207 = arith.constant 0 : i32
        %dma_start3A_208 = arith.constant 0 : i32
        %dma_start3A_209 = tpu.memref_slice %arg3[%dma_start3A_207, %dma_start3A_208] : memref<10000x128xf32, #tpu.memory_space<hbm>> -> memref<10000x128xf32, #tpu.memory_space<hbm>>
        tpu.enqueue_indirect_dma source(%dma_start3A_209 : memref<10000x128xf32, #tpu.memory_space<hbm>>) target(%dma_start3A_199 : memref<64x128xf32, #tpu.memory_space<vmem>>) offsets(%dma_start3A_206 : memref<64xi32, #tpu.memory_space<vmem>>) semaphore(%arg15 : memref<!tpu.dma_semaphore, #tpu.memory_space<semaphore_mem>>)
      } else {
      }
      %dma_wait3A = arith.constant 0 : i32
      %dma_wait3A_73 = arith.constant 0 : i32
      %dma_wait3A_74 = arith.constant 0 : i32
      %dma_wait3A_75 = tpu.memref_slice %arg11[%dma_wait3A, %dma_wait3A_73, %dma_wait3A_74] : memref<2x64x128xf32, #tpu.memory_space<vmem>> -> memref<1x64x128xf32, #tpu.memory_space<vmem>>
      %dma_wait3A_76 = tpu.memref_squeeze %dma_wait3A_75 : memref<1x64x128xf32, #tpu.memory_space<vmem>> -> memref<64x128xf32, #tpu.memory_space<vmem>>
      %dma_wait3A_77 = arith.constant 0 : i32
      %dma_wait3A_78 = arith.constant 0 : i32
      %dma_wait3A_79 = tpu.memref_slice %arg2[%dma_wait3A_77, %dma_wait3A_78] : memref<10000x128xf32, #tpu.memory_space<hbm>> -> memref<64x128xf32, #tpu.memory_space<hbm>>
      %dma_wait3A_80 = arith.constant 0 : i32
      %dma_wait3A_81 = arith.constant 0 : i32
      %dma_wait3A_82 = tpu.memref_slice %arg11[%dma_wait3A, %dma_wait3A_80, %dma_wait3A_81] : memref<2x64x128xf32, #tpu.memory_space<vmem>> -> memref<1x64x128xf32, #tpu.memory_space<vmem>>
      %dma_wait3A_83 = tpu.memref_squeeze %dma_wait3A_82 : memref<1x64x128xf32, #tpu.memory_space<vmem>> -> memref<64x128xf32, #tpu.memory_space<vmem>>
      %dma_wait3A_84 = arith.constant 0 : i32
      %dma_wait3A_85 = arith.constant 0 : i32
      %dma_wait3A_86 = tpu.memref_slice %arg2[%dma_wait3A_84, %dma_wait3A_85] : memref<10000x128xf32, #tpu.memory_space<hbm>> -> memref<64x128xf32, #tpu.memory_space<hbm>>
      tpu.wait_dma2 semaphore(%arg14 : memref<!tpu.dma_semaphore, #tpu.memory_space<semaphore_mem>>) src(%dma_wait3A_86 : memref<64x128xf32, #tpu.memory_space<hbm>>) dst(%dma_wait3A_83 : memref<64x128xf32, #tpu.memory_space<vmem>>)
      %jit3A = arith.constant 8 : i32
      %div3A = arith.divsi %mul3A_51, %jit3A : i32
      %sign3A = arith.constant 0 : i32
      %sign3A_87 = arith.cmpi sgt, %mul3A_51, %sign3A : i32
      %sign3A_88 = arith.extui %sign3A_87 : i1 to i32
      %sign3A_89 = arith.constant 0 : i32
      %sign3A_90 = arith.cmpi slt, %mul3A_51, %sign3A_89 : i32
      %sign3A_91 = arith.extui %sign3A_90 : i1 to i32
      %sign3A_92 = arith.subi %sign3A_88, %sign3A_91 : i32
      %sign3A_93 = arith.constant 0 : i32
      %sign3A_94 = arith.cmpi sgt, %jit3A, %sign3A_93 : i32
      %sign3A_95 = arith.extui %sign3A_94 : i1 to i32
      %sign3A_96 = arith.constant 0 : i32
      %sign3A_97 = arith.cmpi slt, %jit3A, %sign3A_96 : i32
      %sign3A_98 = arith.extui %sign3A_97 : i1 to i32
      %sign3A_99 = arith.subi %sign3A_95, %sign3A_98 : i32
      %ne3A = arith.cmpi ne, %sign3A_92, %sign3A_99 : i32
      %rem3A_100 = arith.remsi %mul3A_51, %jit3A : i32
      %ne3A_101 = arith.constant 0 : i32
      %ne3A_102 = arith.cmpi ne, %rem3A_100, %ne3A_101 : i32
      %and3A = arith.andi %ne3A, %ne3A_102 : i1
      %sub3A = arith.constant 1 : i32
      %sub3A_103 = arith.subi %div3A, %sub3A : i32
      %select_n3A = arith.select %and3A, %sub3A_103, %div3A : i32
      %rem3A_104 = arith.constant 2 : i32
      %rem3A_105 = arith.remsi %select_n3A, %rem3A_104 : i32
      %rem3A_106 = arith.constant 8 : i32
      %rem3A_107 = arith.remsi %mul3A_51, %rem3A_106 : i32
      %run_scoped3A = arith.constant 0 : i32
      "tpu.region"() ({
        %run_scoped3A_168 = tpu.sem_alloc : memref<!tpu.dma_semaphore, #tpu.memory_space<semaphore_mem>>
        %dma_start3A = arith.constant 0 : i32
        %dma_start3A_169 = arith.constant 0 : i32
        %dma_start3A_170 = tpu.memref_slice %arg11[%run_scoped3A, %dma_start3A, %dma_start3A_169] : memref<2x64x128xf32, #tpu.memory_space<vmem>> -> memref<1x64x128xf32, #tpu.memory_space<vmem>>
        %dma_start3A_171 = tpu.memref_squeeze %dma_start3A_170 : memref<1x64x128xf32, #tpu.memory_space<vmem>> -> memref<64x128xf32, #tpu.memory_space<vmem>>
        %dma_start3A_172 = arith.constant 0 : i32
        %dma_start3A_173 = arith.constant 0 : i32
        %dma_start3A_174 = tpu.memref_slice %arg10[%rem3A_105, %dma_start3A_172, %dma_start3A_173] : memref<2x8x64xi32, #tpu.memory_space<vmem>> -> memref<1x8x64xi32, #tpu.memory_space<vmem>>
        %dma_start3A_175 = tpu.memref_squeeze %dma_start3A_174 : memref<1x8x64xi32, #tpu.memory_space<vmem>> -> memref<8x64xi32, #tpu.memory_space<vmem>>
        %dma_start3A_176 = arith.constant 0 : i32
        %dma_start3A_177 = tpu.memref_slice %dma_start3A_175[%rem3A_107, %dma_start3A_176] : memref<8x64xi32, #tpu.memory_space<vmem>> -> memref<1x64xi32, #tpu.memory_space<vmem>>
        %dma_start3A_178 = tpu.memref_squeeze %dma_start3A_177 : memref<1x64xi32, #tpu.memory_space<vmem>> -> memref<64xi32, #tpu.memory_space<vmem>>
        %dma_start3A_179 = arith.constant 0 : i32
        %dma_start3A_180 = arith.constant 0 : i32
        %dma_start3A_181 = tpu.memref_slice %arg13[%dma_start3A_179, %dma_start3A_180] : memref<10240x128xf32, #tpu.memory_space<vmem_shared>> -> memref<10240x128xf32, #tpu.memory_space<vmem_shared>>
        tpu.enqueue_indirect_dma source(%dma_start3A_171 : memref<64x128xf32, #tpu.memory_space<vmem>>) target(%dma_start3A_181 : memref<10240x128xf32, #tpu.memory_space<vmem_shared>>) offsets(%dma_start3A_178 : memref<64xi32, #tpu.memory_space<vmem>>) semaphore(%run_scoped3A_168 : memref<!tpu.dma_semaphore, #tpu.memory_space<semaphore_mem>>) {add = true}
        %dma_wait3A_182 = arith.constant 0 : i32
        %dma_wait3A_183 = arith.constant 0 : i32
        %dma_wait3A_184 = tpu.memref_slice %arg11[%run_scoped3A, %dma_wait3A_182, %dma_wait3A_183] : memref<2x64x128xf32, #tpu.memory_space<vmem>> -> memref<1x64x128xf32, #tpu.memory_space<vmem>>
        %dma_wait3A_185 = tpu.memref_squeeze %dma_wait3A_184 : memref<1x64x128xf32, #tpu.memory_space<vmem>> -> memref<64x128xf32, #tpu.memory_space<vmem>>
        %dma_wait3A_186 = arith.constant 0 : i32
        %dma_wait3A_187 = arith.constant 0 : i32
        %dma_wait3A_188 = tpu.memref_slice %arg10[%rem3A_105, %dma_wait3A_186, %dma_wait3A_187] : memref<2x8x64xi32, #tpu.memory_space<vmem>> -> memref<1x8x64xi32, #tpu.memory_space<vmem>>
        %dma_wait3A_189 = tpu.memref_squeeze %dma_wait3A_188 : memref<1x8x64xi32, #tpu.memory_space<vmem>> -> memref<8x64xi32, #tpu.memory_space<vmem>>
        %dma_wait3A_190 = arith.constant 0 : i32
        %dma_wait3A_191 = tpu.memref_slice %dma_wait3A_189[%rem3A_107, %dma_wait3A_190] : memref<8x64xi32, #tpu.memory_space<vmem>> -> memref<1x64xi32, #tpu.memory_space<vmem>>
        %dma_wait3A_192 = tpu.memref_squeeze %dma_wait3A_191 : memref<1x64xi32, #tpu.memory_space<vmem>> -> memref<64xi32, #tpu.memory_space<vmem>>
        %dma_wait3A_193 = arith.constant 0 : i32
        %dma_wait3A_194 = arith.constant 0 : i32
        %dma_wait3A_195 = tpu.memref_slice %arg13[%dma_wait3A_193, %dma_wait3A_194] : memref<10240x128xf32, #tpu.memory_space<vmem_shared>> -> memref<10240x128xf32, #tpu.memory_space<vmem_shared>>
        tpu.wait_indirect_dma semaphore(%run_scoped3A_168 : memref<!tpu.dma_semaphore, #tpu.memory_space<semaphore_mem>>) src(%dma_wait3A_185 : memref<64x128xf32, #tpu.memory_space<vmem>>) dst(%dma_wait3A_195 : memref<10240x128xf32, #tpu.memory_space<vmem_shared>>)
        tpu.yield
      }) : () -> ()
      %rem3A_108 = arith.constant 2 : i32
      %rem3A_109 = arith.remsi %mul3A_51, %rem3A_108 : i32
      %eq3A_110 = arith.cmpi eq, %rem3A_109, %arg0 : i32
      %convert_element_type3A_111 = arith.extui %eq3A_110 : i1 to i32
      %cond3A_112 = arith.constant 0 : i32
      %cond3A_113 = arith.cmpi ne, %convert_element_type3A_111, %cond3A_112 : i32
      scf.if %cond3A_113 {
        %scan3A_168 = arith.constant 0 : i32
        %scan3A_169 = arith.constant 4 : i32
        %scan3A_170 = arith.addi %scan3A_168, %scan3A_169 : i32
        %scan3A_171 = arith.constant 1 : i32
        scf.for %scan3A_173 = %scan3A_168 to %scan3A_170 step %scan3A_171  : i32 {
          %mul3A_174 = arith.constant 1 : i32
          %mul3A_175 = arith.muli %scan3A_173, %mul3A_174 : i32
          %add3A_176 = arith.constant 0 : i32
          %add3A_177 = arith.addi %add3A_176, %mul3A_175 : i32
          %jit3A_178 = arith.constant 8 : i32
          %div3A_179 = arith.divsi %mul3A_51, %jit3A_178 : i32
          %sign3A_180 = arith.constant 0 : i32
          %sign3A_181 = arith.cmpi sgt, %mul3A_51, %sign3A_180 : i32
          %sign3A_182 = arith.extui %sign3A_181 : i1 to i32
          %sign3A_183 = arith.constant 0 : i32
          %sign3A_184 = arith.cmpi slt, %mul3A_51, %sign3A_183 : i32
          %sign3A_185 = arith.extui %sign3A_184 : i1 to i32
          %sign3A_186 = arith.subi %sign3A_182, %sign3A_185 : i32
          %sign3A_187 = arith.constant 0 : i32
          %sign3A_188 = arith.cmpi sgt, %jit3A_178, %sign3A_187 : i32
          %sign3A_189 = arith.extui %sign3A_188 : i1 to i32
          %sign3A_190 = arith.constant 0 : i32
          %sign3A_191 = arith.cmpi slt, %jit3A_178, %sign3A_190 : i32
          %sign3A_192 = arith.extui %sign3A_191 : i1 to i32
          %sign3A_193 = arith.subi %sign3A_189, %sign3A_192 : i32
          %ne3A_194 = arith.cmpi ne, %sign3A_186, %sign3A_193 : i32
          %rem3A_195 = arith.remsi %mul3A_51, %jit3A_178 : i32
          %ne3A_196 = arith.constant 0 : i32
          %ne3A_197 = arith.cmpi ne, %rem3A_195, %ne3A_196 : i32
          %and3A_198 = arith.andi %ne3A_194, %ne3A_197 : i1
          %sub3A_199 = arith.constant 1 : i32
          %sub3A_200 = arith.subi %div3A_179, %sub3A_199 : i32
          %select_n3A_201 = arith.select %and3A_198, %sub3A_200, %div3A_179 : i32
          %rem3A_202 = arith.constant 2 : i32
          %rem3A_203 = arith.remsi %select_n3A_201, %rem3A_202 : i32
          %rem3A_204 = arith.constant 8 : i32
          %rem3A_205 = arith.remsi %mul3A_51, %rem3A_204 : i32
          %mul3A_206 = arith.constant 16 : i32
          %mul3A_207 = arith.muli %add3A_177, %mul3A_206 : i32
          %get3A = arith.index_cast %rem3A_203 : i32 to index
          %get3A_208 = arith.index_cast %rem3A_205 : i32 to index
          %get3A_209 = arith.index_cast %mul3A_207 : i32 to index
          %get3A_210 = tpu.vector_load %arg10[%get3A, %get3A_208, %get3A_209] {strides = array<i32>} : memref<2x8x64xi32, #tpu.memory_space<vmem>>, vector<16xi32>,
          %shift_right_logical3A = arith.constant 7 : i32
          %shift_right_logical3A_211 = vector.broadcast %shift_right_logical3A : i32 to vector<16xi32>
          %shift_right_logical3A_212 = arith.shrui %get3A_210, %shift_right_logical3A_211 : vector<16xi32>
          %and3A_213 = arith.constant 127 : i32
          %and3A_214 = vector.broadcast %and3A_213 : i32 to vector<16xi32>
          %and3A_215 = arith.andi %get3A_210, %and3A_214 : vector<16xi32>
          tpu.vector_store_idx %arg12[%shift_right_logical3A_212, %and3A_215], %broadcast_in_dim3A_2 {add = true} : memref<80x128xf32, #tpu.memory_space<vmem>>[vector<16xi32>, vector<16xi32>], vector<16xf32>,
        }
        %scan3A_172 = arith.constant 4 : i32
      } else {
      }
      %lt3A = arith.constant 160 : i32
      %lt3A_114 = arith.cmpi slt, %add3A_55, %lt3A : i32
      %convert_element_type3A_115 = arith.extui %lt3A_114 : i1 to i32
      %cond3A_116 = arith.constant 0 : i32
      %cond3A_117 = arith.cmpi ne, %convert_element_type3A_115, %cond3A_116 : i32
      scf.if %cond3A_117 {
        %rem3A_168 = arith.constant 8 : i32
        %rem3A_169 = arith.remsi %add3A_55, %rem3A_168 : i32
        %eq3A_170 = arith.constant 0 : i32
        %eq3A_171 = arith.cmpi eq, %rem3A_169, %eq3A_170 : i32
        %convert_element_type3A_172 = arith.extui %eq3A_171 : i1 to i32
        %cond3A_173 = arith.constant 0 : i32
        %cond3A_174 = arith.cmpi ne, %convert_element_type3A_172, %cond3A_173 : i32
        scf.if %cond3A_174 {
          %jit3A_185 = arith.constant 8 : i32
          %div3A_186 = arith.divsi %add3A_55, %jit3A_185 : i32
          %sign3A_187 = arith.constant 0 : i32
          %sign3A_188 = arith.cmpi sgt, %add3A_55, %sign3A_187 : i32
          %sign3A_189 = arith.extui %sign3A_188 : i1 to i32
          %sign3A_190 = arith.constant 0 : i32
          %sign3A_191 = arith.cmpi slt, %add3A_55, %sign3A_190 : i32
          %sign3A_192 = arith.extui %sign3A_191 : i1 to i32
          %sign3A_193 = arith.subi %sign3A_189, %sign3A_192 : i32
          %sign3A_194 = arith.constant 0 : i32
          %sign3A_195 = arith.cmpi sgt, %jit3A_185, %sign3A_194 : i32
          %sign3A_196 = arith.extui %sign3A_195 : i1 to i32
          %sign3A_197 = arith.constant 0 : i32
          %sign3A_198 = arith.cmpi slt, %jit3A_185, %sign3A_197 : i32
          %sign3A_199 = arith.extui %sign3A_198 : i1 to i32
          %sign3A_200 = arith.subi %sign3A_196, %sign3A_199 : i32
          %ne3A_201 = arith.cmpi ne, %sign3A_193, %sign3A_200 : i32
          %rem3A_202 = arith.remsi %add3A_55, %jit3A_185 : i32
          %ne3A_203 = arith.constant 0 : i32
          %ne3A_204 = arith.cmpi ne, %rem3A_202, %ne3A_203 : i32
          %and3A_205 = arith.andi %ne3A_201, %ne3A_204 : i1
          %sub3A_206 = arith.constant 1 : i32
          %sub3A_207 = arith.subi %div3A_186, %sub3A_206 : i32
          %select_n3A_208 = arith.select %and3A_205, %sub3A_207, %div3A_186 : i32
          %rem3A_209 = arith.constant 2 : i32
          %rem3A_210 = arith.remsi %select_n3A_208, %rem3A_209 : i32
          %mul3A_211 = arith.constant 8 : i32
          %mul3A_212 = arith.muli %select_n3A_208, %mul3A_211 : i32
          "tpu.region"() ({
            %run_scoped3A_215 = tpu.sem_alloc : memref<!tpu.dma_semaphore, #tpu.memory_space<semaphore_mem>>
            %dma_start3A = arith.constant 0 : i32
            %dma_start3A_216 = arith.constant 0 : i32
            %dma_start3A_217 = tpu.memref_slice %arg9[%rem3A_210, %dma_start3A, %dma_start3A_216] : memref<2x8x64xi32, #tpu.memory_space<vmem>> -> memref<1x8x64xi32, #tpu.memory_space<vmem>>
            %dma_start3A_218 = tpu.memref_squeeze %dma_start3A_217 : memref<1x8x64xi32, #tpu.memory_space<vmem>> -> memref<8x64xi32, #tpu.memory_space<vmem>>
            %dma_start3A_219 = arith.constant 0 : i32
            %dma_start3A_220 = arith.constant 0 : i32
            %dma_start3A_221 = tpu.memref_slice %arg4[%arg1, %dma_start3A_219, %dma_start3A_220] : memref<16x160x64xi32, #tpu.memory_space<hbm>> -> memref<1x160x64xi32, #tpu.memory_space<hbm>>
            %dma_start3A_222 = tpu.memref_squeeze %dma_start3A_221 : memref<1x160x64xi32, #tpu.memory_space<hbm>> -> memref<160x64xi32, #tpu.memory_space<hbm>>
            %dma_start3A_223 = arith.constant 0 : i32
            %dma_start3A_224 = tpu.memref_slice %dma_start3A_222[%mul3A_212, %dma_start3A_223] : memref<160x64xi32, #tpu.memory_space<hbm>> -> memref<8x64xi32, #tpu.memory_space<hbm>>
            %dma_start3A_225 = arith.constant 0 : i32
            %dma_start3A_226 = arith.constant 0 : i32
            %dma_start3A_227 = tpu.memref_slice %arg9[%rem3A_210, %dma_start3A_225, %dma_start3A_226] : memref<2x8x64xi32, #tpu.memory_space<vmem>> -> memref<1x8x64xi32, #tpu.memory_space<vmem>>
            %dma_start3A_228 = tpu.memref_squeeze %dma_start3A_227 : memref<1x8x64xi32, #tpu.memory_space<vmem>> -> memref<8x64xi32, #tpu.memory_space<vmem>>
            %dma_start3A_229 = arith.constant 0 : i32
            %dma_start3A_230 = arith.constant 0 : i32
            %dma_start3A_231 = tpu.memref_slice %arg4[%arg1, %dma_start3A_229, %dma_start3A_230] : memref<16x160x64xi32, #tpu.memory_space<hbm>> -> memref<1x160x64xi32, #tpu.memory_space<hbm>>
            %dma_start3A_232 = tpu.memref_squeeze %dma_start3A_231 : memref<1x160x64xi32, #tpu.memory_space<hbm>> -> memref<160x64xi32, #tpu.memory_space<hbm>>
            %dma_start3A_233 = arith.constant 0 : i32
            %dma_start3A_234 = tpu.memref_slice %dma_start3A_232[%mul3A_212, %dma_start3A_233] : memref<160x64xi32, #tpu.memory_space<hbm>> -> memref<8x64xi32, #tpu.memory_space<hbm>>
            tpu.enqueue_dma source(%dma_start3A_234 : memref<8x64xi32, #tpu.memory_space<hbm>>) target(%dma_start3A_228 : memref<8x64xi32, #tpu.memory_space<vmem>>) target_semaphore(%run_scoped3A_215 : memref<!tpu.dma_semaphore, #tpu.memory_space<semaphore_mem>>)
            %dma_wait3A_235 = arith.constant 0 : i32
            %dma_wait3A_236 = arith.constant 0 : i32
            %dma_wait3A_237 = tpu.memref_slice %arg9[%rem3A_210, %dma_wait3A_235, %dma_wait3A_236] : memref<2x8x64xi32, #tpu.memory_space<vmem>> -> memref<1x8x64xi32, #tpu.memory_space<vmem>>
            %dma_wait3A_238 = tpu.memref_squeeze %dma_wait3A_237 : memref<1x8x64xi32, #tpu.memory_space<vmem>> -> memref<8x64xi32, #tpu.memory_space<vmem>>
            %dma_wait3A_239 = arith.constant 0 : i32
            %dma_wait3A_240 = arith.constant 0 : i32
            %dma_wait3A_241 = tpu.memref_slice %arg4[%arg1, %dma_wait3A_239, %dma_wait3A_240] : memref<16x160x64xi32, #tpu.memory_space<hbm>> -> memref<1x160x64xi32, #tpu.memory_space<hbm>>
            %dma_wait3A_242 = tpu.memref_squeeze %dma_wait3A_241 : memref<1x160x64xi32, #tpu.memory_space<hbm>> -> memref<160x64xi32, #tpu.memory_space<hbm>>
            %dma_wait3A_243 = arith.constant 0 : i32
            %dma_wait3A_244 = tpu.memref_slice %dma_wait3A_242[%mul3A_212, %dma_wait3A_243] : memref<160x64xi32, #tpu.memory_space<hbm>> -> memref<8x64xi32, #tpu.memory_space<hbm>>
            %dma_wait3A_245 = arith.constant 0 : i32
            %dma_wait3A_246 = arith.constant 0 : i32
            %dma_wait3A_247 = tpu.memref_slice %arg9[%rem3A_210, %dma_wait3A_245, %dma_wait3A_246] : memref<2x8x64xi32, #tpu.memory_space<vmem>> -> memref<1x8x64xi32, #tpu.memory_space<vmem>>
            %dma_wait3A_248 = tpu.memref_squeeze %dma_wait3A_247 : memref<1x8x64xi32, #tpu.memory_space<vmem>> -> memref<8x64xi32, #tpu.memory_space<vmem>>
            %dma_wait3A_249 = arith.constant 0 : i32
            %dma_wait3A_250 = arith.constant 0 : i32
            %dma_wait3A_251 = tpu.memref_slice %arg4[%arg1, %dma_wait3A_249, %dma_wait3A_250] : memref<16x160x64xi32, #tpu.memory_space<hbm>> -> memref<1x160x64xi32, #tpu.memory_space<hbm>>
            %dma_wait3A_252 = tpu.memref_squeeze %dma_wait3A_251 : memref<1x160x64xi32, #tpu.memory_space<hbm>> -> memref<160x64xi32, #tpu.memory_space<hbm>>
            %dma_wait3A_253 = arith.constant 0 : i32
            %dma_wait3A_254 = tpu.memref_slice %dma_wait3A_252[%mul3A_212, %dma_wait3A_253] : memref<160x64xi32, #tpu.memory_space<hbm>> -> memref<8x64xi32, #tpu.memory_space<hbm>>
            tpu.wait_dma2 semaphore(%run_scoped3A_215 : memref<!tpu.dma_semaphore, #tpu.memory_space<semaphore_mem>>) src(%dma_wait3A_254 : memref<8x64xi32, #tpu.memory_space<hbm>>) dst(%dma_wait3A_248 : memref<8x64xi32, #tpu.memory_space<vmem>>)
            tpu.yield
          }) : () -> ()
          %mul3A_213 = arith.constant 8 : i32
          %mul3A_214 = arith.muli %select_n3A_208, %mul3A_213 : i32
          "tpu.region"() ({
            %run_scoped3A_215 = tpu.sem_alloc : memref<!tpu.dma_semaphore, #tpu.memory_space<semaphore_mem>>
            %dma_start3A = arith.constant 0 : i32
            %dma_start3A_216 = arith.constant 0 : i32
            %dma_start3A_217 = tpu.memref_slice %arg10[%rem3A_210, %dma_start3A, %dma_start3A_216] : memref<2x8x64xi32, #tpu.memory_space<vmem>> -> memref<1x8x64xi32, #tpu.memory_space<vmem>>
            %dma_start3A_218 = tpu.memref_squeeze %dma_start3A_217 : memref<1x8x64xi32, #tpu.memory_space<vmem>> -> memref<8x64xi32, #tpu.memory_space<vmem>>
            %dma_start3A_219 = arith.constant 0 : i32
            %dma_start3A_220 = arith.constant 0 : i32
            %dma_start3A_221 = tpu.memref_slice %arg5[%arg1, %dma_start3A_219, %dma_start3A_220] : memref<16x160x64xi32, #tpu.memory_space<hbm>> -> memref<1x160x64xi32, #tpu.memory_space<hbm>>
            %dma_start3A_222 = tpu.memref_squeeze %dma_start3A_221 : memref<1x160x64xi32, #tpu.memory_space<hbm>> -> memref<160x64xi32, #tpu.memory_space<hbm>>
            %dma_start3A_223 = arith.constant 0 : i32
            %dma_start3A_224 = tpu.memref_slice %dma_start3A_222[%mul3A_214, %dma_start3A_223] : memref<160x64xi32, #tpu.memory_space<hbm>> -> memref<8x64xi32, #tpu.memory_space<hbm>>
            %dma_start3A_225 = arith.constant 0 : i32
            %dma_start3A_226 = arith.constant 0 : i32
            %dma_start3A_227 = tpu.memref_slice %arg10[%rem3A_210, %dma_start3A_225, %dma_start3A_226] : memref<2x8x64xi32, #tpu.memory_space<vmem>> -> memref<1x8x64xi32, #tpu.memory_space<vmem>>
            %dma_start3A_228 = tpu.memref_squeeze %dma_start3A_227 : memref<1x8x64xi32, #tpu.memory_space<vmem>> -> memref<8x64xi32, #tpu.memory_space<vmem>>
            %dma_start3A_229 = arith.constant 0 : i32
            %dma_start3A_230 = arith.constant 0 : i32
            %dma_start3A_231 = tpu.memref_slice %arg5[%arg1, %dma_start3A_229, %dma_start3A_230] : memref<16x160x64xi32, #tpu.memory_space<hbm>> -> memref<1x160x64xi32, #tpu.memory_space<hbm>>
            %dma_start3A_232 = tpu.memref_squeeze %dma_start3A_231 : memref<1x160x64xi32, #tpu.memory_space<hbm>> -> memref<160x64xi32, #tpu.memory_space<hbm>>
            %dma_start3A_233 = arith.constant 0 : i32
            %dma_start3A_234 = tpu.memref_slice %dma_start3A_232[%mul3A_214, %dma_start3A_233] : memref<160x64xi32, #tpu.memory_space<hbm>> -> memref<8x64xi32, #tpu.memory_space<hbm>>
            tpu.enqueue_dma source(%dma_start3A_234 : memref<8x64xi32, #tpu.memory_space<hbm>>) target(%dma_start3A_228 : memref<8x64xi32, #tpu.memory_space<vmem>>) target_semaphore(%run_scoped3A_215 : memref<!tpu.dma_semaphore, #tpu.memory_space<semaphore_mem>>)
            %dma_wait3A_235 = arith.constant 0 : i32
            %dma_wait3A_236 = arith.constant 0 : i32
            %dma_wait3A_237 = tpu.memref_slice %arg10[%rem3A_210, %dma_wait3A_235, %dma_wait3A_236] : memref<2x8x64xi32, #tpu.memory_space<vmem>> -> memref<1x8x64xi32, #tpu.memory_space<vmem>>
            %dma_wait3A_238 = tpu.memref_squeeze %dma_wait3A_237 : memref<1x8x64xi32, #tpu.memory_space<vmem>> -> memref<8x64xi32, #tpu.memory_space<vmem>>
            %dma_wait3A_239 = arith.constant 0 : i32
            %dma_wait3A_240 = arith.constant 0 : i32
            %dma_wait3A_241 = tpu.memref_slice %arg5[%arg1, %dma_wait3A_239, %dma_wait3A_240] : memref<16x160x64xi32, #tpu.memory_space<hbm>> -> memref<1x160x64xi32, #tpu.memory_space<hbm>>
            %dma_wait3A_242 = tpu.memref_squeeze %dma_wait3A_241 : memref<1x160x64xi32, #tpu.memory_space<hbm>> -> memref<160x64xi32, #tpu.memory_space<hbm>>
            %dma_wait3A_243 = arith.constant 0 : i32
            %dma_wait3A_244 = tpu.memref_slice %dma_wait3A_242[%mul3A_214, %dma_wait3A_243] : memref<160x64xi32, #tpu.memory_space<hbm>> -> memref<8x64xi32, #tpu.memory_space<hbm>>
            %dma_wait3A_245 = arith.constant 0 : i32
            %dma_wait3A_246 = arith.constant 0 : i32
            %dma_wait3A_247 = tpu.memref_slice %arg10[%rem3A_210, %dma_wait3A_245, %dma_wait3A_246] : memref<2x8x64xi32, #tpu.memory_space<vmem>> -> memref<1x8x64xi32, #tpu.memory_space<vmem>>
            %dma_wait3A_248 = tpu.memref_squeeze %dma_wait3A_247 : memref<1x8x64xi32, #tpu.memory_space<vmem>> -> memref<8x64xi32, #tpu.memory_space<vmem>>
            %dma_wait3A_249 = arith.constant 0 : i32
            %dma_wait3A_250 = arith.constant 0 : i32
            %dma_wait3A_251 = tpu.memref_slice %arg5[%arg1, %dma_wait3A_249, %dma_wait3A_250] : memref<16x160x64xi32, #tpu.memory_space<hbm>> -> memref<1x160x64xi32, #tpu.memory_space<hbm>>
            %dma_wait3A_252 = tpu.memref_squeeze %dma_wait3A_251 : memref<1x160x64xi32, #tpu.memory_space<hbm>> -> memref<160x64xi32, #tpu.memory_space<hbm>>
            %dma_wait3A_253 = arith.constant 0 : i32
            %dma_wait3A_254 = tpu.memref_slice %dma_wait3A_252[%mul3A_214, %dma_wait3A_253] : memref<160x64xi32, #tpu.memory_space<hbm>> -> memref<8x64xi32, #tpu.memory_space<hbm>>
            tpu.wait_dma2 semaphore(%run_scoped3A_215 : memref<!tpu.dma_semaphore, #tpu.memory_space<semaphore_mem>>) src(%dma_wait3A_254 : memref<8x64xi32, #tpu.memory_space<hbm>>) dst(%dma_wait3A_248 : memref<8x64xi32, #tpu.memory_space<vmem>>)
            tpu.yield
          }) : () -> ()
        } else {
        }
        %eq3A_175 = arith.constant 0 : i32
        %eq3A_176 = arith.cmpi eq, %arg0, %eq3A_175 : i32
        %convert_element_type3A_177 = arith.extui %eq3A_176 : i1 to i32
        %cond3A_178 = arith.constant 0 : i32
        %cond3A_179 = arith.cmpi ne, %convert_element_type3A_177, %cond3A_178 : i32
        scf.if %cond3A_179 {
          %jit3A_185 = arith.constant 8 : i32
          %div3A_186 = arith.divsi %add3A_55, %jit3A_185 : i32
          %sign3A_187 = arith.constant 0 : i32
          %sign3A_188 = arith.cmpi sgt, %add3A_55, %sign3A_187 : i32
          %sign3A_189 = arith.extui %sign3A_188 : i1 to i32
          %sign3A_190 = arith.constant 0 : i32
          %sign3A_191 = arith.cmpi slt, %add3A_55, %sign3A_190 : i32
          %sign3A_192 = arith.extui %sign3A_191 : i1 to i32
          %sign3A_193 = arith.subi %sign3A_189, %sign3A_192 : i32
          %sign3A_194 = arith.constant 0 : i32
          %sign3A_195 = arith.cmpi sgt, %jit3A_185, %sign3A_194 : i32
          %sign3A_196 = arith.extui %sign3A_195 : i1 to i32
          %sign3A_197 = arith.constant 0 : i32
          %sign3A_198 = arith.cmpi slt, %jit3A_185, %sign3A_197 : i32
          %sign3A_199 = arith.extui %sign3A_198 : i1 to i32
          %sign3A_200 = arith.subi %sign3A_196, %sign3A_199 : i32
          %ne3A_201 = arith.cmpi ne, %sign3A_193, %sign3A_200 : i32
          %rem3A_202 = arith.remsi %add3A_55, %jit3A_185 : i32
          %ne3A_203 = arith.constant 0 : i32
          %ne3A_204 = arith.cmpi ne, %rem3A_202, %ne3A_203 : i32
          %and3A_205 = arith.andi %ne3A_201, %ne3A_204 : i1
          %sub3A_206 = arith.constant 1 : i32
          %sub3A_207 = arith.subi %div3A_186, %sub3A_206 : i32
          %select_n3A_208 = arith.select %and3A_205, %sub3A_207, %div3A_186 : i32
          %rem3A_209 = arith.constant 2 : i32
          %rem3A_210 = arith.remsi %select_n3A_208, %rem3A_209 : i32
          %rem3A_211 = arith.constant 8 : i32
          %rem3A_212 = arith.remsi %add3A_55, %rem3A_211 : i32
          %dma_start3A = arith.constant 0 : i32
          %dma_start3A_213 = arith.constant 0 : i32
          %dma_start3A_214 = arith.constant 0 : i32
          %dma_start3A_215 = tpu.memref_slice %arg11[%dma_start3A, %dma_start3A_213, %dma_start3A_214] : memref<2x64x128xf32, #tpu.memory_space<vmem>> -> memref<1x64x128xf32, #tpu.memory_space<vmem>>
          %dma_start3A_216 = tpu.memref_squeeze %dma_start3A_215 : memref<1x64x128xf32, #tpu.memory_space<vmem>> -> memref<64x128xf32, #tpu.memory_space<vmem>>
          %dma_start3A_217 = arith.constant 0 : i32
          %dma_start3A_218 = arith.constant 0 : i32
          %dma_start3A_219 = tpu.memref_slice %arg9[%rem3A_210, %dma_start3A_217, %dma_start3A_218] : memref<2x8x64xi32, #tpu.memory_space<vmem>> -> memref<1x8x64xi32, #tpu.memory_space<vmem>>
          %dma_start3A_220 = tpu.memref_squeeze %dma_start3A_219 : memref<1x8x64xi32, #tpu.memory_space<vmem>> -> memref<8x64xi32, #tpu.memory_space<vmem>>
          %dma_start3A_221 = arith.constant 0 : i32
          %dma_start3A_222 = tpu.memref_slice %dma_start3A_220[%rem3A_212, %dma_start3A_221] : memref<8x64xi32, #tpu.memory_space<vmem>> -> memref<1x64xi32, #tpu.memory_space<vmem>>
          %dma_start3A_223 = tpu.memref_squeeze %dma_start3A_222 : memref<1x64xi32, #tpu.memory_space<vmem>> -> memref<64xi32, #tpu.memory_space<vmem>>
          %dma_start3A_224 = arith.constant 0 : i32
          %dma_start3A_225 = arith.constant 0 : i32
          %dma_start3A_226 = tpu.memref_slice %arg2[%dma_start3A_224, %dma_start3A_225] : memref<10000x128xf32, #tpu.memory_space<hbm>> -> memref<10000x128xf32, #tpu.memory_space<hbm>>
          tpu.enqueue_indirect_dma source(%dma_start3A_226 : memref<10000x128xf32, #tpu.memory_space<hbm>>) target(%dma_start3A_216 : memref<64x128xf32, #tpu.memory_space<vmem>>) offsets(%dma_start3A_223 : memref<64xi32, #tpu.memory_space<vmem>>) semaphore(%arg14 : memref<!tpu.dma_semaphore, #tpu.memory_space<semaphore_mem>>)
        } else {
        }
        %eq3A_180 = arith.constant 1 : i32
        %eq3A_181 = arith.cmpi eq, %arg0, %eq3A_180 : i32
        %convert_element_type3A_182 = arith.extui %eq3A_181 : i1 to i32
        %cond3A_183 = arith.constant 0 : i32
        %cond3A_184 = arith.cmpi ne, %convert_element_type3A_182, %cond3A_183 : i32
        scf.if %cond3A_184 {
          %jit3A_185 = arith.constant 8 : i32
          %div3A_186 = arith.divsi %add3A_55, %jit3A_185 : i32
          %sign3A_187 = arith.constant 0 : i32
          %sign3A_188 = arith.cmpi sgt, %add3A_55, %sign3A_187 : i32
          %sign3A_189 = arith.extui %sign3A_188 : i1 to i32
          %sign3A_190 = arith.constant 0 : i32
          %sign3A_191 = arith.cmpi slt, %add3A_55, %sign3A_190 : i32
          %sign3A_192 = arith.extui %sign3A_191 : i1 to i32
          %sign3A_193 = arith.subi %sign3A_189, %sign3A_192 : i32
          %sign3A_194 = arith.constant 0 : i32
          %sign3A_195 = arith.cmpi sgt, %jit3A_185, %sign3A_194 : i32
          %sign3A_196 = arith.extui %sign3A_195 : i1 to i32
          %sign3A_197 = arith.constant 0 : i32
          %sign3A_198 = arith.cmpi slt, %jit3A_185, %sign3A_197 : i32
          %sign3A_199 = arith.extui %sign3A_198 : i1 to i32
          %sign3A_200 = arith.subi %sign3A_196, %sign3A_199 : i32
          %ne3A_201 = arith.cmpi ne, %sign3A_193, %sign3A_200 : i32
          %rem3A_202 = arith.remsi %add3A_55, %jit3A_185 : i32
          %ne3A_203 = arith.constant 0 : i32
          %ne3A_204 = arith.cmpi ne, %rem3A_202, %ne3A_203 : i32
          %and3A_205 = arith.andi %ne3A_201, %ne3A_204 : i1
          %sub3A_206 = arith.constant 1 : i32
          %sub3A_207 = arith.subi %div3A_186, %sub3A_206 : i32
          %select_n3A_208 = arith.select %and3A_205, %sub3A_207, %div3A_186 : i32
          %rem3A_209 = arith.constant 2 : i32
          %rem3A_210 = arith.remsi %select_n3A_208, %rem3A_209 : i32
          %rem3A_211 = arith.constant 8 : i32
          %rem3A_212 = arith.remsi %add3A_55, %rem3A_211 : i32
          %dma_start3A = arith.constant 0 : i32
          %dma_start3A_213 = arith.constant 0 : i32
          %dma_start3A_214 = arith.constant 0 : i32
          %dma_start3A_215 = tpu.memref_slice %arg11[%dma_start3A, %dma_start3A_213, %dma_start3A_214] : memref<2x64x128xf32, #tpu.memory_space<vmem>> -> memref<1x64x128xf32, #tpu.memory_space<vmem>>
          %dma_start3A_216 = tpu.memref_squeeze %dma_start3A_215 : memref<1x64x128xf32, #tpu.memory_space<vmem>> -> memref<64x128xf32, #tpu.memory_space<vmem>>
          %dma_start3A_217 = arith.constant 0 : i32
          %dma_start3A_218 = arith.constant 0 : i32
          %dma_start3A_219 = tpu.memref_slice %arg9[%rem3A_210, %dma_start3A_217, %dma_start3A_218] : memref<2x8x64xi32, #tpu.memory_space<vmem>> -> memref<1x8x64xi32, #tpu.memory_space<vmem>>
          %dma_start3A_220 = tpu.memref_squeeze %dma_start3A_219 : memref<1x8x64xi32, #tpu.memory_space<vmem>> -> memref<8x64xi32, #tpu.memory_space<vmem>>
          %dma_start3A_221 = arith.constant 0 : i32
          %dma_start3A_222 = tpu.memref_slice %dma_start3A_220[%rem3A_212, %dma_start3A_221] : memref<8x64xi32, #tpu.memory_space<vmem>> -> memref<1x64xi32, #tpu.memory_space<vmem>>
          %dma_start3A_223 = tpu.memref_squeeze %dma_start3A_222 : memref<1x64xi32, #tpu.memory_space<vmem>> -> memref<64xi32, #tpu.memory_space<vmem>>
          %dma_start3A_224 = arith.constant 0 : i32
          %dma_start3A_225 = arith.constant 0 : i32
          %dma_start3A_226 = tpu.memref_slice %arg3[%dma_start3A_224, %dma_start3A_225] : memref<10000x128xf32, #tpu.memory_space<hbm>> -> memref<10000x128xf32, #tpu.memory_space<hbm>>
          tpu.enqueue_indirect_dma source(%dma_start3A_226 : memref<10000x128xf32, #tpu.memory_space<hbm>>) target(%dma_start3A_216 : memref<64x128xf32, #tpu.memory_space<vmem>>) offsets(%dma_start3A_223 : memref<64xi32, #tpu.memory_space<vmem>>) semaphore(%arg14 : memref<!tpu.dma_semaphore, #tpu.memory_space<semaphore_mem>>)
        } else {
        }
      } else {
      }
      %dma_wait3A_118 = arith.constant 1 : i32
      %dma_wait3A_119 = arith.constant 0 : i32
      %dma_wait3A_120 = arith.constant 0 : i32
      %dma_wait3A_121 = tpu.memref_slice %arg11[%dma_wait3A_118, %dma_wait3A_119, %dma_wait3A_120] : memref<2x64x128xf32, #tpu.memory_space<vmem>> -> memref<1x64x128xf32, #tpu.memory_space<vmem>>
      %dma_wait3A_122 = tpu.memref_squeeze %dma_wait3A_121 : memref<1x64x128xf32, #tpu.memory_space<vmem>> -> memref<64x128xf32, #tpu.memory_space<vmem>>
      %dma_wait3A_123 = arith.constant 0 : i32
      %dma_wait3A_124 = arith.constant 0 : i32
      %dma_wait3A_125 = tpu.memref_slice %arg2[%dma_wait3A_123, %dma_wait3A_124] : memref<10000x128xf32, #tpu.memory_space<hbm>> -> memref<64x128xf32, #tpu.memory_space<hbm>>
      %dma_wait3A_126 = arith.constant 0 : i32
      %dma_wait3A_127 = arith.constant 0 : i32
      %dma_wait3A_128 = tpu.memref_slice %arg11[%dma_wait3A_118, %dma_wait3A_126, %dma_wait3A_127] : memref<2x64x128xf32, #tpu.memory_space<vmem>> -> memref<1x64x128xf32, #tpu.memory_space<vmem>>
      %dma_wait3A_129 = tpu.memref_squeeze %dma_wait3A_128 : memref<1x64x128xf32, #tpu.memory_space<vmem>> -> memref<64x128xf32, #tpu.memory_space<vmem>>
      %dma_wait3A_130 = arith.constant 0 : i32
      %dma_wait3A_131 = arith.constant 0 : i32
      %dma_wait3A_132 = tpu.memref_slice %arg2[%dma_wait3A_130, %dma_wait3A_131] : memref<10000x128xf32, #tpu.memory_space<hbm>> -> memref<64x128xf32, #tpu.memory_space<hbm>>
      tpu.wait_dma2 semaphore(%arg15 : memref<!tpu.dma_semaphore, #tpu.memory_space<semaphore_mem>>) src(%dma_wait3A_132 : memref<64x128xf32, #tpu.memory_space<hbm>>) dst(%dma_wait3A_129 : memref<64x128xf32, #tpu.memory_space<vmem>>)
      %jit3A_133 = arith.constant 8 : i32
      %div3A_134 = arith.divsi %add3A_53, %jit3A_133 : i32
      %sign3A_135 = arith.constant 0 : i32
      %sign3A_136 = arith.cmpi sgt, %add3A_53, %sign3A_135 : i32
      %sign3A_137 = arith.extui %sign3A_136 : i1 to i32
      %sign3A_138 = arith.constant 0 : i32
      %sign3A_139 = arith.cmpi slt, %add3A_53, %sign3A_138 : i32
      %sign3A_140 = arith.extui %sign3A_139 : i1 to i32
      %sign3A_141 = arith.subi %sign3A_137, %sign3A_140 : i32
      %sign3A_142 = arith.constant 0 : i32
      %sign3A_143 = arith.cmpi sgt, %jit3A_133, %sign3A_142 : i32
      %sign3A_144 = arith.extui %sign3A_143 : i1 to i32
      %sign3A_145 = arith.constant 0 : i32
      %sign3A_146 = arith.cmpi slt, %jit3A_133, %sign3A_145 : i32
      %sign3A_147 = arith.extui %sign3A_146 : i1 to i32
      %sign3A_148 = arith.subi %sign3A_144, %sign3A_147 : i32
      %ne3A_149 = arith.cmpi ne, %sign3A_141, %sign3A_148 : i32
      %rem3A_150 = arith.remsi %add3A_53, %jit3A_133 : i32
      %ne3A_151 = arith.constant 0 : i32
      %ne3A_152 = arith.cmpi ne, %rem3A_150, %ne3A_151 : i32
      %and3A_153 = arith.andi %ne3A_149, %ne3A_152 : i1
      %sub3A_154 = arith.constant 1 : i32
      %sub3A_155 = arith.subi %div3A_134, %sub3A_154 : i32
      %select_n3A_156 = arith.select %and3A_153, %sub3A_155, %div3A_134 : i32
      %rem3A_157 = arith.constant 2 : i32
      %rem3A_158 = arith.remsi %select_n3A_156, %rem3A_157 : i32
      %rem3A_159 = arith.constant 8 : i32
      %rem3A_160 = arith.remsi %add3A_53, %rem3A_159 : i32
      %run_scoped3A_161 = arith.constant 1 : i32
      "tpu.region"() ({
        %run_scoped3A_168 = tpu.sem_alloc : memref<!tpu.dma_semaphore, #tpu.memory_space<semaphore_mem>>
        %dma_start3A = arith.constant 0 : i32
        %dma_start3A_169 = arith.constant 0 : i32
        %dma_start3A_170 = tpu.memref_slice %arg11[%run_scoped3A_161, %dma_start3A, %dma_start3A_169] : memref<2x64x128xf32, #tpu.memory_space<vmem>> -> memref<1x64x128xf32, #tpu.memory_space<vmem>>
        %dma_start3A_171 = tpu.memref_squeeze %dma_start3A_170 : memref<1x64x128xf32, #tpu.memory_space<vmem>> -> memref<64x128xf32, #tpu.memory_space<vmem>>
        %dma_start3A_172 = arith.constant 0 : i32
        %dma_start3A_173 = arith.constant 0 : i32
        %dma_start3A_174 = tpu.memref_slice %arg10[%rem3A_158, %dma_start3A_172, %dma_start3A_173] : memref<2x8x64xi32, #tpu.memory_space<vmem>> -> memref<1x8x64xi32, #tpu.memory_space<vmem>>
        %dma_start3A_175 = tpu.memref_squeeze %dma_start3A_174 : memref<1x8x64xi32, #tpu.memory_space<vmem>> -> memref<8x64xi32, #tpu.memory_space<vmem>>
        %dma_start3A_176 = arith.constant 0 : i32
        %dma_start3A_177 = tpu.memref_slice %dma_start3A_175[%rem3A_160, %dma_start3A_176] : memref<8x64xi32, #tpu.memory_space<vmem>> -> memref<1x64xi32, #tpu.memory_space<vmem>>
        %dma_start3A_178 = tpu.memref_squeeze %dma_start3A_177 : memref<1x64xi32, #tpu.memory_space<vmem>> -> memref<64xi32, #tpu.memory_space<vmem>>
        %dma_start3A_179 = arith.constant 0 : i32
        %dma_start3A_180 = arith.constant 0 : i32
        %dma_start3A_181 = tpu.memref_slice %arg13[%dma_start3A_179, %dma_start3A_180] : memref<10240x128xf32, #tpu.memory_space<vmem_shared>> -> memref<10240x128xf32, #tpu.memory_space<vmem_shared>>
        tpu.enqueue_indirect_dma source(%dma_start3A_171 : memref<64x128xf32, #tpu.memory_space<vmem>>) target(%dma_start3A_181 : memref<10240x128xf32, #tpu.memory_space<vmem_shared>>) offsets(%dma_start3A_178 : memref<64xi32, #tpu.memory_space<vmem>>) semaphore(%run_scoped3A_168 : memref<!tpu.dma_semaphore, #tpu.memory_space<semaphore_mem>>) {add = true}
        %dma_wait3A_182 = arith.constant 0 : i32
        %dma_wait3A_183 = arith.constant 0 : i32
        %dma_wait3A_184 = tpu.memref_slice %arg11[%run_scoped3A_161, %dma_wait3A_182, %dma_wait3A_183] : memref<2x64x128xf32, #tpu.memory_space<vmem>> -> memref<1x64x128xf32, #tpu.memory_space<vmem>>
        %dma_wait3A_185 = tpu.memref_squeeze %dma_wait3A_184 : memref<1x64x128xf32, #tpu.memory_space<vmem>> -> memref<64x128xf32, #tpu.memory_space<vmem>>
        %dma_wait3A_186 = arith.constant 0 : i32
        %dma_wait3A_187 = arith.constant 0 : i32
        %dma_wait3A_188 = tpu.memref_slice %arg10[%rem3A_158, %dma_wait3A_186, %dma_wait3A_187] : memref<2x8x64xi32, #tpu.memory_space<vmem>> -> memref<1x8x64xi32, #tpu.memory_space<vmem>>
        %dma_wait3A_189 = tpu.memref_squeeze %dma_wait3A_188 : memref<1x8x64xi32, #tpu.memory_space<vmem>> -> memref<8x64xi32, #tpu.memory_space<vmem>>
        %dma_wait3A_190 = arith.constant 0 : i32
        %dma_wait3A_191 = tpu.memref_slice %dma_wait3A_189[%rem3A_160, %dma_wait3A_190] : memref<8x64xi32, #tpu.memory_space<vmem>> -> memref<1x64xi32, #tpu.memory_space<vmem>>
        %dma_wait3A_192 = tpu.memref_squeeze %dma_wait3A_191 : memref<1x64xi32, #tpu.memory_space<vmem>> -> memref<64xi32, #tpu.memory_space<vmem>>
        %dma_wait3A_193 = arith.constant 0 : i32
        %dma_wait3A_194 = arith.constant 0 : i32
        %dma_wait3A_195 = tpu.memref_slice %arg13[%dma_wait3A_193, %dma_wait3A_194] : memref<10240x128xf32, #tpu.memory_space<vmem_shared>> -> memref<10240x128xf32, #tpu.memory_space<vmem_shared>>
        tpu.wait_indirect_dma semaphore(%run_scoped3A_168 : memref<!tpu.dma_semaphore, #tpu.memory_space<semaphore_mem>>) src(%dma_wait3A_185 : memref<64x128xf32, #tpu.memory_space<vmem>>) dst(%dma_wait3A_195 : memref<10240x128xf32, #tpu.memory_space<vmem_shared>>)
        tpu.yield
      }) : () -> ()
      %rem3A_162 = arith.constant 2 : i32
      %rem3A_163 = arith.remsi %add3A_53, %rem3A_162 : i32
      %eq3A_164 = arith.cmpi eq, %rem3A_163, %arg0 : i32
      %convert_element_type3A_165 = arith.extui %eq3A_164 : i1 to i32
      %cond3A_166 = arith.constant 0 : i32
      %cond3A_167 = arith.cmpi ne, %convert_element_type3A_165, %cond3A_166 : i32
      scf.if %cond3A_167 {
        %scan3A_168 = arith.constant 0 : i32
        %scan3A_169 = arith.constant 4 : i32
        %scan3A_170 = arith.addi %scan3A_168, %scan3A_169 : i32
        %scan3A_171 = arith.constant 1 : i32
        scf.for %scan3A_173 = %scan3A_168 to %scan3A_170 step %scan3A_171  : i32 {
          %mul3A_174 = arith.constant 1 : i32
          %mul3A_175 = arith.muli %scan3A_173, %mul3A_174 : i32
          %add3A_176 = arith.constant 0 : i32
          %add3A_177 = arith.addi %add3A_176, %mul3A_175 : i32
          %jit3A_178 = arith.constant 8 : i32
          %div3A_179 = arith.divsi %add3A_53, %jit3A_178 : i32
          %sign3A_180 = arith.constant 0 : i32
          %sign3A_181 = arith.cmpi sgt, %add3A_53, %sign3A_180 : i32
          %sign3A_182 = arith.extui %sign3A_181 : i1 to i32
          %sign3A_183 = arith.constant 0 : i32
          %sign3A_184 = arith.cmpi slt, %add3A_53, %sign3A_183 : i32
          %sign3A_185 = arith.extui %sign3A_184 : i1 to i32
          %sign3A_186 = arith.subi %sign3A_182, %sign3A_185 : i32
          %sign3A_187 = arith.constant 0 : i32
          %sign3A_188 = arith.cmpi sgt, %jit3A_178, %sign3A_187 : i32
          %sign3A_189 = arith.extui %sign3A_188 : i1 to i32
          %sign3A_190 = arith.constant 0 : i32
          %sign3A_191 = arith.cmpi slt, %jit3A_178, %sign3A_190 : i32
          %sign3A_192 = arith.extui %sign3A_191 : i1 to i32
          %sign3A_193 = arith.subi %sign3A_189, %sign3A_192 : i32
          %ne3A_194 = arith.cmpi ne, %sign3A_186, %sign3A_193 : i32
          %rem3A_195 = arith.remsi %add3A_53, %jit3A_178 : i32
          %ne3A_196 = arith.constant 0 : i32
          %ne3A_197 = arith.cmpi ne, %rem3A_195, %ne3A_196 : i32
          %and3A_198 = arith.andi %ne3A_194, %ne3A_197 : i1
          %sub3A_199 = arith.constant 1 : i32
          %sub3A_200 = arith.subi %div3A_179, %sub3A_199 : i32
          %select_n3A_201 = arith.select %and3A_198, %sub3A_200, %div3A_179 : i32
          %rem3A_202 = arith.constant 2 : i32
          %rem3A_203 = arith.remsi %select_n3A_201, %rem3A_202 : i32
          %rem3A_204 = arith.constant 8 : i32
          %rem3A_205 = arith.remsi %add3A_53, %rem3A_204 : i32
          %mul3A_206 = arith.constant 16 : i32
          %mul3A_207 = arith.muli %add3A_177, %mul3A_206 : i32
          %get3A = arith.index_cast %rem3A_203 : i32 to index
          %get3A_208 = arith.index_cast %rem3A_205 : i32 to index
          %get3A_209 = arith.index_cast %mul3A_207 : i32 to index
          %get3A_210 = tpu.vector_load %arg10[%get3A, %get3A_208, %get3A_209] {strides = array<i32>} : memref<2x8x64xi32, #tpu.memory_space<vmem>>, vector<16xi32>,
          %shift_right_logical3A = arith.constant 7 : i32
          %shift_right_logical3A_211 = vector.broadcast %shift_right_logical3A : i32 to vector<16xi32>
          %shift_right_logical3A_212 = arith.shrui %get3A_210, %shift_right_logical3A_211 : vector<16xi32>
          %and3A_213 = arith.constant 127 : i32
          %and3A_214 = vector.broadcast %and3A_213 : i32 to vector<16xi32>
          %and3A_215 = arith.andi %get3A_210, %and3A_214 : vector<16xi32>
          tpu.vector_store_idx %arg12[%shift_right_logical3A_212, %and3A_215], %broadcast_in_dim3A_2 {add = true} : memref<80x128xf32, #tpu.memory_space<vmem>>[vector<16xi32>, vector<16xi32>], vector<16xf32>,
        }
        %scan3A_172 = arith.constant 4 : i32
      } else {
      }
    }
    %scan3A_30 = arith.constant 80 : i32
    %barrier3A_31 = arith.constant 0 : index
    tpu.barrier barrier_id(%barrier3A_31)
    %mul3A = arith.constant 640 : i32
    %mul3A_32 = arith.muli %arg1, %mul3A : i32
    %eq3A_33 = arith.constant 0 : i32
    %eq3A_34 = arith.cmpi eq, %arg0, %eq3A_33 : i32
    %convert_element_type3A_35 = arith.extui %eq3A_34 : i1 to i32
    %cond3A_36 = arith.constant 0 : i32
    %cond3A_37 = arith.cmpi ne, %convert_element_type3A_35, %cond3A_36 : i32
    scf.if %cond3A_37 {
      "tpu.region"() ({
        %run_scoped3A = tpu.sem_alloc : memref<!tpu.dma_semaphore, #tpu.memory_space<semaphore_mem>>
        %dma_start3A = arith.constant 0 : i32
        %dma_start3A_45 = tpu.memref_slice %arg6[%mul3A_32, %dma_start3A] : memref<10240x128xf32, #tpu.memory_space<hbm>> -> memref<640x128xf32, #tpu.memory_space<hbm>>
        %dma_start3A_46 = arith.constant 0 : i32
        %dma_start3A_47 = tpu.memref_slice %arg13[%mul3A_32, %dma_start3A_46] : memref<10240x128xf32, #tpu.memory_space<vmem_shared>> -> memref<640x128xf32, #tpu.memory_space<vmem_shared>>
        tpu.enqueue_dma source(%dma_start3A_47 : memref<640x128xf32, #tpu.memory_space<vmem_shared>>) target(%dma_start3A_45 : memref<640x128xf32, #tpu.memory_space<hbm>>) target_semaphore(%run_scoped3A : memref<!tpu.dma_semaphore, #tpu.memory_space<semaphore_mem>>)
        %dma_wait3A = arith.constant 0 : i32
        %dma_wait3A_48 = tpu.memref_slice %arg6[%mul3A_32, %dma_wait3A] : memref<10240x128xf32, #tpu.memory_space<hbm>> -> memref<640x128xf32, #tpu.memory_space<hbm>>
        %dma_wait3A_49 = arith.constant 0 : i32
        %dma_wait3A_50 = tpu.memref_slice %arg13[%mul3A_32, %dma_wait3A_49] : memref<10240x128xf32, #tpu.memory_space<vmem_shared>> -> memref<640x128xf32, #tpu.memory_space<vmem_shared>>
        tpu.wait_dma2 semaphore(%run_scoped3A : memref<!tpu.dma_semaphore, #tpu.memory_space<semaphore_mem>>) src(%dma_wait3A_50 : memref<640x128xf32, #tpu.memory_space<vmem_shared>>) dst(%dma_wait3A_48 : memref<640x128xf32, #tpu.memory_space<hbm>>)
        tpu.yield
      }) : () -> ()
    } else {
    }
    %eq3A_38 = arith.constant 1 : i32
    %eq3A_39 = arith.cmpi eq, %arg0, %eq3A_38 : i32
    %convert_element_type3A_40 = arith.extui %eq3A_39 : i1 to i32
    %cond3A_41 = arith.constant 0 : i32
    %cond3A_42 = arith.cmpi ne, %convert_element_type3A_40, %cond3A_41 : i32
    scf.if %cond3A_42 {
      "tpu.region"() ({
        %run_scoped3A = tpu.sem_alloc : memref<!tpu.dma_semaphore, #tpu.memory_space<semaphore_mem>>
        %dma_start3A = arith.constant 0 : i32
        %dma_start3A_45 = tpu.memref_slice %arg7[%mul3A_32, %dma_start3A] : memref<10240x128xf32, #tpu.memory_space<hbm>> -> memref<640x128xf32, #tpu.memory_space<hbm>>
        %dma_start3A_46 = arith.constant 0 : i32
        %dma_start3A_47 = tpu.memref_slice %arg13[%mul3A_32, %dma_start3A_46] : memref<10240x128xf32, #tpu.memory_space<vmem_shared>> -> memref<640x128xf32, #tpu.memory_space<vmem_shared>>
        tpu.enqueue_dma source(%dma_start3A_47 : memref<640x128xf32, #tpu.memory_space<vmem_shared>>) target(%dma_start3A_45 : memref<640x128xf32, #tpu.memory_space<hbm>>) target_semaphore(%run_scoped3A : memref<!tpu.dma_semaphore, #tpu.memory_space<semaphore_mem>>)
        %dma_wait3A = arith.constant 0 : i32
        %dma_wait3A_48 = tpu.memref_slice %arg7[%mul3A_32, %dma_wait3A] : memref<10240x128xf32, #tpu.memory_space<hbm>> -> memref<640x128xf32, #tpu.memory_space<hbm>>
        %dma_wait3A_49 = arith.constant 0 : i32
        %dma_wait3A_50 = tpu.memref_slice %arg13[%mul3A_32, %dma_wait3A_49] : memref<10240x128xf32, #tpu.memory_space<vmem_shared>> -> memref<640x128xf32, #tpu.memory_space<vmem_shared>>
        tpu.wait_dma2 semaphore(%run_scoped3A : memref<!tpu.dma_semaphore, #tpu.memory_space<semaphore_mem>>) src(%dma_wait3A_50 : memref<640x128xf32, #tpu.memory_space<vmem_shared>>) dst(%dma_wait3A_48 : memref<640x128xf32, #tpu.memory_space<hbm>>)
        tpu.yield
      }) : () -> ()
    } else {
    }
    %mul3A_43 = arith.constant 16 : i32
    %mul3A_44 = arith.muli %arg0, %mul3A_43 : i32
    %add3A = arith.addi %mul3A_44, %arg1 : i32
    "tpu.region"() ({
      %run_scoped3A = tpu.sem_alloc : memref<!tpu.dma_semaphore, #tpu.memory_space<semaphore_mem>>
      %dma_start3A = arith.constant 0 : i32
      %dma_start3A_45 = arith.constant 0 : i32
      %dma_start3A_46 = tpu.memref_slice %arg8[%add3A, %dma_start3A, %dma_start3A_45] : memref<32x80x128xf32, #tpu.memory_space<hbm>> -> memref<1x80x128xf32, #tpu.memory_space<hbm>>
      %dma_start3A_47 = tpu.memref_squeeze %dma_start3A_46 : memref<1x80x128xf32, #tpu.memory_space<hbm>> -> memref<80x128xf32, #tpu.memory_space<hbm>>
      %dma_start3A_48 = arith.constant 0 : i32
      %dma_start3A_49 = arith.constant 0 : i32
      %dma_start3A_50 = tpu.memref_slice %arg8[%add3A, %dma_start3A_48, %dma_start3A_49] : memref<32x80x128xf32, #tpu.memory_space<hbm>> -> memref<1x80x128xf32, #tpu.memory_space<hbm>>
      %dma_start3A_51 = tpu.memref_squeeze %dma_start3A_50 : memref<1x80x128xf32, #tpu.memory_space<hbm>> -> memref<80x128xf32, #tpu.memory_space<hbm>>
      tpu.enqueue_dma source(%arg12 : memref<80x128xf32, #tpu.memory_space<vmem>>) target(%dma_start3A_51 : memref<80x128xf32, #tpu.memory_space<hbm>>) target_semaphore(%run_scoped3A : memref<!tpu.dma_semaphore, #tpu.memory_space<semaphore_mem>>)
      %dma_wait3A = arith.constant 0 : i32
      %dma_wait3A_52 = arith.constant 0 : i32
      %dma_wait3A_53 = tpu.memref_slice %arg8[%add3A, %dma_wait3A, %dma_wait3A_52] : memref<32x80x128xf32, #tpu.memory_space<hbm>> -> memref<1x80x128xf32, #tpu.memory_space<hbm>>
      %dma_wait3A_54 = tpu.memref_squeeze %dma_wait3A_53 : memref<1x80x128xf32, #tpu.memory_space<hbm>> -> memref<80x128xf32, #tpu.memory_space<hbm>>
      %dma_wait3A_55 = arith.constant 0 : i32
      %dma_wait3A_56 = arith.constant 0 : i32
      %dma_wait3A_57 = tpu.memref_slice %arg8[%add3A, %dma_wait3A_55, %dma_wait3A_56] : memref<32x80x128xf32, #tpu.memory_space<hbm>> -> memref<1x80x128xf32, #tpu.memory_space<hbm>>
      %dma_wait3A_58 = tpu.memref_squeeze %dma_wait3A_57 : memref<1x80x128xf32, #tpu.memory_space<hbm>> -> memref<80x128xf32, #tpu.memory_space<hbm>>
      tpu.wait_dma2 semaphore(%run_scoped3A : memref<!tpu.dma_semaphore, #tpu.memory_space<semaphore_mem>>) src(%arg12 : memref<80x128xf32, #tpu.memory_space<vmem>>) dst(%dma_wait3A_58 : memref<80x128xf32, #tpu.memory_space<hbm>>)
      tpu.yield
    }) : () -> ()
    return
  }
}

module attributes {stable_mosaic.version = 14 : i64} {
  func.func @body(%arg0: i32, %arg1: memref<1000x256xf32, #tpu.memory_space<vmem>>, %arg2: memref<256x256xf32, #tpu.memory_space<vmem>>, %arg3: memref<1x256xf32, #tpu.memory_space<vmem>>, %arg4: memref<1000x256xf32, #tpu.memory_space<vmem>>) attributes {dimension_semantics = [#tpu.dimension_semantics<arbitrary>], iteration_bounds = array<i64: 10>, scalar_prefetch = 0 : i64, scratch_operands = 0 : i64, tpu.core_type = #tpu.core_type<tc>, window_params = [{transform_indices = @transform_0, window_bounds = array<i64: 1000, 256>}, {pipeline_mode = #tpu.pipeline_mode<synchronous>, transform_indices = @transform_1, window_bounds = array<i64: 256, 256>}, {pipeline_mode = #tpu.pipeline_mode<synchronous>, transform_indices = @transform_2, window_bounds = array<i64: 1, 256>}, {transform_indices = @transform_3, window_bounds = array<i64: 1000, 256>}]} {
    %get3A = arith.constant 0 : index
    %get3A_0 = arith.constant 0 : index
    %get3A_1 = vector.load %arg1[%get3A, %get3A_0] : memref<1000x256xf32, #tpu.memory_space<vmem>>, vector<1000x256xf32>
    %get3A_2 = arith.constant 0 : index
    %get3A_3 = arith.constant 0 : index
    %get3A_4 = vector.load %arg2[%get3A_2, %get3A_3] : memref<256x256xf32, #tpu.memory_space<vmem>>, vector<256x256xf32>
    %dot_general3A = arith.constant dense<0.000000e+00> : vector<1000x256xf32>
    %dot_general3A_5 = tpu.matmul %get3A_1, %get3A_4, %dot_general3A {dimension_numbers = #tpu.dot_dimension_numbers<[1], [0], [0], [1], [0, 0, 1, 1], [], []>, precision = #tpu.contract_precision<fp32>, transpose_lhs_hint = false} : vector<1000x256xf32>, vector<256x256xf32>, vector<1000x256xf32> -> vector<1000x256xf32>
    %get3A_6 = arith.constant 0 : index
    %get3A_7 = arith.constant 0 : index
    %get3A_8 = vector.load %arg3[%get3A_6, %get3A_7] : memref<1x256xf32, #tpu.memory_space<vmem>>, vector<1x256xf32>
    %add3A = vector.broadcast %get3A_8 : vector<1x256xf32> to vector<1000x256xf32>
    %add3A_9 = arith.addf %dot_general3A_5, %add3A : vector<1000x256xf32>
    %swap3A = arith.constant 0 : index
    %swap3A_10 = arith.constant 0 : index
    %swap3A_11 = vector.load %arg4[%swap3A, %swap3A_10] : memref<1000x256xf32, #tpu.memory_space<vmem>>, vector<1000x256xf32>
    tpu.vector_store %arg4[%swap3A, %swap3A_10], %add3A_9 {strides = array<i32>} : memref<1000x256xf32, #tpu.memory_space<vmem>>, vector<1000x256xf32>,
    return
  }
  func.func @transform_0(%arg0: i32) -> (i32, i32) {
    %c0_i32 = arith.constant 0 : i32
    %c0_i32_0 = arith.constant 0 : i32
    return %arg0, %c0_i32 : i32, i32
  }
  func.func @transform_1(%arg0: i32) -> (i32, i32) {
    %c0_i32 = arith.constant 0 : i32
    %c0_i32_0 = arith.constant 0 : i32
    %c0_i32_1 = arith.constant 0 : i32
    return %c0_i32, %c0_i32_0 : i32, i32
  }
  func.func @transform_2(%arg0: i32) -> (i32, i32) {
    %c0_i32 = arith.constant 0 : i32
    %c0_i32_0 = arith.constant 0 : i32
    %c0_i32_1 = arith.constant 0 : i32
    return %c0_i32, %c0_i32_0 : i32, i32
  }
  func.func @transform_3(%arg0: i32) -> (i32, i32) {
    %c0_i32 = arith.constant 0 : i32
    %c0_i32_0 = arith.constant 0 : i32
    return %arg0, %c0_i32 : i32, i32
  }
}

module attributes {stable_mosaic.version = 14 : i64} {
  func.func @body(%arg0: i32, %arg1: memref<1000x256xf32, #tpu.memory_space<vmem>>, %arg2: memref<1000x128xf32, #tpu.memory_space<vmem>>, %arg3: memref<1000x128xf32, #tpu.memory_space<vmem>>, %arg4: memref<1000x32xf32, #tpu.memory_space<vmem>>, %arg5: memref<256x256xf32, #tpu.memory_space<vmem>>, %arg6: memref<1000x256xf32, #tpu.memory_space<vmem>>) attributes {dimension_semantics = [#tpu.dimension_semantics<arbitrary>], iteration_bounds = array<i64: 10>, scalar_prefetch = 0 : i64, scratch_operands = 0 : i64, tpu.core_type = #tpu.core_type<tc>, window_params = [{transform_indices = @transform_0, window_bounds = array<i64: 1000, 256>}, {transform_indices = @transform_1, window_bounds = array<i64: 1000, 128>}, {transform_indices = @transform_2, window_bounds = array<i64: 1000, 128>}, {transform_indices = @transform_3, window_bounds = array<i64: 1000, 32>}, {pipeline_mode = #tpu.pipeline_mode<synchronous>, transform_indices = @transform_4, window_bounds = array<i64: 256, 256>}, {transform_indices = @transform_5, window_bounds = array<i64: 1000, 256>}]} {
    %get3A = arith.constant 0 : index
    %get3A_0 = arith.constant 0 : index
    %get3A_1 = vector.load %arg4[%get3A, %get3A_0] : memref<1000x32xf32, #tpu.memory_space<vmem>>, vector<1000x32xf32>
    %reduce_sum3A = arith.constant dense<0.000000e+00> : vector<1000xf32>
    %reduce_sum3A_2 = vector.multi_reduction <add>, %get3A_1, %reduce_sum3A [1] : vector<1000x32xf32> to vector<1000xf32>
    %broadcast_in_dim3A = vector.shape_cast %reduce_sum3A_2 : vector<1000xf32> to vector<1000x1xf32>
    %max3A = arith.constant 1.000000e+00 : f32
    %max3A_3 = vector.broadcast %max3A : f32 to vector<1000x1xf32>
    %max3A_4 = arith.maximumf %broadcast_in_dim3A, %max3A_3 : vector<1000x1xf32>
    %div3A = arith.constant 1.000000e+00 : f32
    %div3A_5 = vector.broadcast %div3A : f32 to vector<1000x1xf32>
    %div3A_6 = arith.divf %div3A_5, %max3A_4 : vector<1000x1xf32>
    %get3A_7 = arith.constant 0 : index
    %get3A_8 = arith.constant 0 : index
    %get3A_9 = vector.load %arg1[%get3A_7, %get3A_8] : memref<1000x256xf32, #tpu.memory_space<vmem>>, vector<1000x256xf32>
    %get3A_10 = arith.constant 0 : index
    %get3A_11 = arith.constant 0 : index
    %get3A_12 = vector.load %arg2[%get3A_10, %get3A_11] : memref<1000x128xf32, #tpu.memory_space<vmem>>, vector<1000x128xf32>
    %mul3A = vector.broadcast %div3A_6 : vector<1000x1xf32> to vector<1000x128xf32>
    %mul3A_13 = arith.mulf %get3A_12, %mul3A : vector<1000x128xf32>
    %get3A_14 = arith.constant 0 : index
    %get3A_15 = arith.constant 0 : index
    %get3A_16 = vector.load %arg5[%get3A_14, %get3A_15] : memref<256x256xf32, #tpu.memory_space<vmem>>, vector<128x256xf32>
    %dot_general3A = arith.constant dense<0.000000e+00> : vector<1000x256xf32>
    %dot_general3A_17 = tpu.matmul %mul3A_13, %get3A_16, %dot_general3A {dimension_numbers = #tpu.dot_dimension_numbers<[1], [0], [0], [1], [0, 0, 1, 1], [], []>, precision = #tpu.contract_precision<fp32>, transpose_lhs_hint = false} : vector<1000x128xf32>, vector<128x256xf32>, vector<1000x256xf32> -> vector<1000x256xf32>
    %add3A = arith.addf %get3A_9, %dot_general3A_17 : vector<1000x256xf32>
    %get3A_18 = arith.constant 0 : index
    %get3A_19 = arith.constant 0 : index
    %get3A_20 = vector.load %arg3[%get3A_18, %get3A_19] : memref<1000x128xf32, #tpu.memory_space<vmem>>, vector<1000x128xf32>
    %mul3A_21 = vector.broadcast %div3A_6 : vector<1000x1xf32> to vector<1000x128xf32>
    %mul3A_22 = arith.mulf %get3A_20, %mul3A_21 : vector<1000x128xf32>
    %get3A_23 = arith.constant 128 : index
    %get3A_24 = arith.constant 0 : index
    %get3A_25 = vector.load %arg5[%get3A_23, %get3A_24] : memref<256x256xf32, #tpu.memory_space<vmem>>, vector<128x256xf32>
    %dot_general3A_26 = arith.constant dense<0.000000e+00> : vector<1000x256xf32>
    %dot_general3A_27 = tpu.matmul %mul3A_22, %get3A_25, %dot_general3A_26 {dimension_numbers = #tpu.dot_dimension_numbers<[1], [0], [0], [1], [0, 0, 1, 1], [], []>, precision = #tpu.contract_precision<fp32>, transpose_lhs_hint = false} : vector<1000x128xf32>, vector<128x256xf32>, vector<1000x256xf32> -> vector<1000x256xf32>
    %add3A_28 = arith.addf %add3A, %dot_general3A_27 : vector<1000x256xf32>
    %max3A_29 = arith.constant 0.000000e+00 : f32
    %max3A_30 = vector.broadcast %max3A_29 : f32 to vector<1000x256xf32>
    %max3A_31 = arith.maximumf %add3A_28, %max3A_30 : vector<1000x256xf32>
    %swap3A = arith.constant 0 : index
    %swap3A_32 = arith.constant 0 : index
    %swap3A_33 = vector.load %arg6[%swap3A, %swap3A_32] : memref<1000x256xf32, #tpu.memory_space<vmem>>, vector<1000x256xf32>
    tpu.vector_store %arg6[%swap3A, %swap3A_32], %max3A_31 {strides = array<i32>} : memref<1000x256xf32, #tpu.memory_space<vmem>>, vector<1000x256xf32>,
    return
  }
  func.func @transform_0(%arg0: i32) -> (i32, i32) {
    %c0_i32 = arith.constant 0 : i32
    %c0_i32_0 = arith.constant 0 : i32
    return %arg0, %c0_i32 : i32, i32
  }
  func.func @transform_1(%arg0: i32) -> (i32, i32) {
    %c0_i32 = arith.constant 0 : i32
    %c0_i32_0 = arith.constant 0 : i32
    return %arg0, %c0_i32 : i32, i32
  }
  func.func @transform_2(%arg0: i32) -> (i32, i32) {
    %c0_i32 = arith.constant 0 : i32
    %c0_i32_0 = arith.constant 0 : i32
    return %arg0, %c0_i32 : i32, i32
  }
  func.func @transform_3(%arg0: i32) -> (i32, i32) {
    %c0_i32 = arith.constant 0 : i32
    %c0_i32_0 = arith.constant 0 : i32
    return %arg0, %c0_i32 : i32, i32
  }
  func.func @transform_4(%arg0: i32) -> (i32, i32) {
    %c0_i32 = arith.constant 0 : i32
    %c0_i32_0 = arith.constant 0 : i32
    %c0_i32_1 = arith.constant 0 : i32
    return %c0_i32, %c0_i32_0 : i32, i32
  }
  func.func @transform_5(%arg0: i32) -> (i32, i32) {
    %c0_i32 = arith.constant 0 : i32
    %c0_i32_0 = arith.constant 0 : i32
    return %arg0, %c0_i32 : i32, i32
  }
}

</mosaic_0001>

<sc_bundles>
// kernel: kernel.5.cloned.1.call-start
scs
__scs_entry_jumppad:
0x0: {  	(pc) =	sbr.rel $0x88, $3  }
0x1: {  	(tag) =	ssettag $0x0;
	lr =	simm.s32 $0x1  }
0x2: {  	[smem:$0x3F9C] =	sst lr;
	_ =	strace $0xD0000000  }
0x3: {  	_ = 	snop  }
0x4: {  	_ = 	snop  }
0x5: {  	_ = 	snop  }
0x6: {  	_ = 	snop  }
0x7: {  	_ = 	snop  }
__scs_overlays_trampoline_lowered:
0x8: {  	[smem:$0x3FAB] =	sst s0  }
0x9: {  	[smem:$0x3FAC] =	sst s1  }
0xa: {  	[smem:$0x3FAD] =	sst s2  }
0xb: {  	[smem:$0x3FAE] =	sst s3  }
0xc: {  	[smem:$0x3FAF] =	sst s4  }
0xd: {  	[smem:$0x3FB0] =	sst s5  }
0xe: {  	[smem:$0x3FB1] =	sst s6  }
0xf: {  	[smem:$0x3FB2] =	sst s7  }
0x10: {  	[smem:$0x3FB3] =	sst s8  }
0x11: {  	[smem:$0x3FB4] =	sst s9;
	s0 =	simm.s32 @!p0 $0x0  }
0x12: {  	s1 =	sld [smem:$0x3F9A];
	s0 =	simm.s32 @p0 $0x1  }
0x13: {  	[smem:$0x3FB5] =	sst s0;
	s0 =	simm.s32 @!p1 $0x0  }
0x14: {  	s2 =	sld [smem:$0x3F99];
	s0 =	simm.s32 @p1 $0x1  }
0x15: {  	[smem:$0x3FB6] =	sst s0;
	s0 =	simm.s32 @!p2 $0x0  }
0x16: {  	s3 =	sld [smem:$0x3FDB];
	s0 =	simm.s32 @p2 $0x1  }
0x17: {  	s4 =	simm.s32 $0x1BF5;
	[smem:$0x3FB8] =	sst s0  }
0x18: {  	s0 =	sld [smem:$0x3F9B];
	_ =	swait.ge [sflag:s4], $0x0  }
0x19: {  	s7 =	sld [smem:$0x3F9C]  }
0x1a: {  	s8 =	sadd.s32 $0xFFFFE003, lr  }
0x1b: {  	s9 =	sadd.s32 $0xFFFFFEF7, lr;
	s5 =	simm.s32 $0xFFFFFFFF;
	p2 =	slt.u32 s8, $0xFFFFF086  }
0x1c: {  	p1 =	slt.u32 s9, $0xF7A;
	s5 =	simm.s32 @!p2 $0x0  }
0x1d: {  	s5 =	simm.s32 @p1 $0x1;
	p0 =	seq.s32 s7, s2  }
0x1e: {  	s7 =	smul.u32 @!p0 $0xF7A, s2;
	p2 =	seq.s32 @!p0 s5, $0x0  }
0x1f: {  	s9 =	smul.u32 $0xF7A, s1;
	s8 =	simm.s32 @!p0 $0x1BF5;
	p2 =	por !p2, p0  }
0x20: {  	[sflag:s8] =	ssyncset.s32 @!p0 $0xFFFFF086;
	s6 =	sadd.s32 @!p0 s3, s7;
	s7 =	simm.s32 @!p0 $0x108  }
0x21: {  	s3 =	sadd.s32 s3, s9;
	s6 =	sadd.s32 @!p0 $0x88, s6;
	s7 =	simm.s32 @p2 $0x1082  }
0x22: {  	[simem:s7], [sflag:s8] =	dma.local @!p0 [hbm:s6], $0xF7A  }
0x23: {  	s9 =	sor.u32 $0xD0000000, s2;
	s6 =	simm.s32 $0x108;
	_ =	swait.ge @!p0 [sflag:s8], $0x0  }
0x24: {  	s3 =	sadd.s32 $0x88, s3;
	s6 =	simm.s32 @!p1 $0x1082;
	[sflag:s4] =	ssyncset.s32 $0xFFFFF086  }
0x25: {  	[simem:s6], [sflag:s4] =	dma.local [hbm:s3], $0xF7A  }
0x26: {  	[smem:$0x3F9C] =	sst s1;
	(tag) =	ssettag s2;
	_ =	strace s9  }
0x27: {  	s1 =	sld [smem:$0x3FAC]  }
0x28: {  	s2 =	sld [smem:$0x3FAD]  }
0x29: {  	s4 =	sld [smem:$0x3FAF]  }
0x2a: {  	p0 =	seq.s32 s5, $0x0;
	s5 =	sld [smem:$0x3FB0]  }
0x2b: {  	s6 =	sld [smem:$0x3FB1]  }
0x2c: {  	s7 =	sld [smem:$0x3FB2]  }
0x2d: {  	s3 =	simm.s32 $0x108;
	s8 =	sld [smem:$0x3FB3]  }
0x2e: {  	s3 =	simm.s32 @!p0 $0x1082;
	s9 =	sld [smem:$0x3FB4]  }
0x2f: {  	lr =	sadd.s32 s0, s3;
	s0 =	sld [smem:$0x3FAB]  }
0x30: {  	s3 =	sld [smem:$0x3FAE]  }
0x31: {  	[smem:$0x3FB7] =	sst s10  }
0x32: {  	s10 =	sld [smem:$0x3FB5];
	_ =	sdelay $0x3  }
0x33: {  	p0 =	seq.s32 s10, $0x1;
	s10 =	sld [smem:$0x3FB7];
	_ =	sdelay $0x3  }
0x34: {  	[smem:$0x3FB7] =	sst s10  }
0x35: {  	s10 =	sld [smem:$0x3FB6];
	_ =	sdelay $0x3  }
0x36: {  	p1 =	seq.s32 s10, $0x1;
	s10 =	sld [smem:$0x3FB7];
	_ =	sdelay $0x3  }
0x37: {  	[smem:$0x3FB7] =	sst s10  }
0x38: {  	s10 =	sld [smem:$0x3FB8]  }
0x39: {  	_ = 	snop;
	(pc) =	sbr.ind lr, $3  }
0x3a: {  	_ = 	snop  }
0x3b: {  	_ = 	snop  }
0x3c: {  	p2 =	seq.s32 s10, $0x1;
	s10 =	sld [smem:$0x3FB7]  }
0x3d: {  	_ =	shalt  }
0x3e: {  	_ =	shalt  }
0x3f: {  	_ =	shalt  }
0x40: {  	_ =	shalt  }
0x41: {  	_ =	shalt  }
0x42: {  	_ =	shalt  }
0x43: {  	_ =	shalt  }
0x44: {  	_ =	shalt  }
0x45: {  	_ =	shalt  }
0x46: {  	_ =	shalt  }
0x47: {  	_ =	shalt  }
0x48: {  	_ =	shalt  }
0x49: {  	_ =	shalt  }
0x4a: {  	_ =	shalt  }
0x4b: {  	_ =	shalt  }
0x4c: {  	_ =	shalt  }
0x4d: {  	_ =	shalt  }
0x4e: {  	_ =	shalt  }
0x4f: {  	_ =	shalt  }
0x50: {  	_ =	shalt  }
0x51: {  	_ =	shalt  }
0x52: {  	_ =	shalt  }
0x53: {  	_ =	shalt  }
0x54: {  	_ =	shalt  }
0x55: {  	_ =	shalt  }
0x56: {  	_ =	shalt  }
0x57: {  	_ =	shalt  }
0x58: {  	_ =	shalt  }
0x59: {  	_ =	shalt  }
0x5a: {  	_ =	shalt  }
0x5b: {  	_ =	shalt  }
0x5c: {  	_ =	shalt  }
0x5d: {  	_ =	shalt  }
0x5e: {  	_ =	shalt  }
0x5f: {  	_ =	shalt  }
0x60: {  	_ =	shalt  }
0x61: {  	_ =	shalt  }
0x62: {  	_ =	shalt  }
0x63: {  	_ =	shalt  }
0x64: {  	_ =	shalt  }
0x65: {  	_ =	shalt  }
0x66: {  	_ =	shalt  }
0x67: {  	_ =	shalt  }
0x68: {  	_ =	shalt  }
0x69: {  	_ =	shalt  }
0x6a: {  	_ =	shalt  }
0x6b: {  	_ =	shalt  }
0x6c: {  	_ =	shalt  }
0x6d: {  	_ =	shalt  }
0x6e: {  	_ =	shalt  }
0x6f: {  	_ =	shalt  }
0x70: {  	_ =	shalt  }
0x71: {  	_ =	shalt  }
0x72: {  	_ =	shalt  }
0x73: {  	_ =	shalt  }
0x74: {  	_ =	shalt  }
0x75: {  	_ =	shalt  }
0x76: {  	_ =	shalt  }
0x77: {  	_ =	shalt  }
0x78: {  	_ =	shalt  }
0x79: {  	_ =	shalt  }
0x7a: {  	_ =	shalt  }
0x7b: {  	_ =	shalt  }
0x7c: {  	_ =	shalt  }
0x7d: {  	_ =	shalt  }
0x7e: {  	_ =	shalt  }
0x7f: {  	_ =	shalt  }
0x80: {  	_ =	shalt  }
0x81: {  	_ =	shalt  }
0x82: {  	_ =	shalt  }
0x83: {  	_ =	shalt  }
0x84: {  	_ =	shalt  }
0x85: {  	_ =	shalt  }
0x86: {  	_ =	shalt  }
0x87: {  	_ =	shalt  }
.Lfunc_end0:
.L_simem_size_0:
called_computation_lowered:
.L_overlay_start_0:
0x88: {  	s2 =	sld [smem:$0x3FD9]  }
0x89: {  	s3 =	sld [smem:$0x3FFE];
	_ =	sdelay $0x1  }
0x8a: {  	s1 =	srdreg.scid  }
0x8b: {  	s0 =	sand.u32 $0x1, s1  }
0x8c: {  	s17 =	sshll.u32 s0, $0xA;
	s2 =	sadd.s32 s3, s2  }
0x8d: {  	s2 =	sadd.s32 s2, s17  }
0x8e: {  	[smem:$0x3FC3] =	sst s2  }
0x8f: {  	_ = 	snop  }
0x90: {  	s2 =	sld [smem:$0x3FD0];
	(tm) =	ssettm $0x1  }
0x91: {  	s18 =	sld [smem:$0x3FFB];
	_ =	sdelay $0x3  }
0x92: {  	_ =	strace s18  }
0x93: {  	s3 =	sld [smem:$0x3FFC];
	_ =	sdelay $0x3  }
0x94: {  	_ =	strace s3  }
0x95: {  	s3 =	sld [smem:$0x3FFD];
	_ =	sdelay $0x3  }
0x96: {  	_ =	strace s3  }
0x97: {  	_ =	strace $0x8FFFFFFF  }
0x98: {  	s19 =	sld [smem:$0x3FDB];
	_ =	sdelay $0x1  }
0x99: {  	s4 =	simm.s32 $_scs_section_size  }
0x9a: {  	s5 =	simm.s32 $_size__tile_overlayer_lowered;
	s6 =	simm.s32 $_tile_overlayer_lowered  }
0x9b: {  	s22 =	simm.s32 $0x1BFF;
	s21 =	sshll.u32 s6, $0x1;
	s3 =	sadd.s32 s4, s19  }
0x9c: {  	s7 =	simm.s32 $0x0;
	s20 =	sshll.u32 s5, $0x1;
	s5 =	sadd.s32 s21, s3  }
0x9d: {  	[timem:s7], [sflag:s22] =	dma.local [hbm:s5], s20  }
0x9e: {  	_ =	swait.ge [sflag:s22], s20  }
0x9f: {  	s4 =	ssub.s32 $0x0, s20;
	[sflag:s22] =	ssyncset.done $0x0  }
0xa0: {  	[sflag:s22] =	ssyncadd.s32 s4;
	_ =	sdelay $0x1  }
0xa1: {  	s23 =	simm.s32 $0x1B8B  }
0xa2: {  	_ =	swait.ge [sflag:s23], $0x1  }
0xa3: {  	[sflag:s23] =	ssyncset.done $0x0  }
0xa4: {  	s25 =	simm.s32 $0x1B8E;
	s24 =	sld [smem:$0x3FFE];
	[sflag:s23] =	ssyncadd.s32 $0xFFFFFFFF  }
0xa5: {  	s26 =	simm.s32 $execute0_lowered;
	[smem:$0x3FD2] =	sst s25  }
0xa6: {  	s5 =	sshll.u32 s26, $0x1;
	_ =	strace $0x80000046;
	[dreg:$0x1] =	wrdreg $0xFFFFFFFF  }
0xa7: {  	s28 =	simm.s32 $_size_execute0_lowered;
	s3 =	sadd.s32 s3, s5;
	[dreg:$0x0] =	wrdreg $0x0  }
0xa8: {  	s5 =	sshll.u32 s28, $0x1;
	[dreg:$0x2] =	wrdreg s3  }
0xa9: {  	[dreg:$0x3] =	wrdreg s5  }
0xaa: {  	[dreg:$0x4] =	wrdreg $0xC0  }
0xab: {  	_ =	task [dreg:s7], $0x5FFFF  }
0xac: {  	[dreg:$0x1] =	wrdreg $0xFFFFFFFF  }
0xad: {  	[dreg:$0x0] =	wrdreg $0x60  }
0xae: {  	[dreg:$0x2] =	wrdreg s24  }
0xaf: {  	[dreg:$0x3] =	wrdreg s2  }
0xb0: {  	[dreg:$0x4] =	wrdreg $0x78000  }
0xb1: {  	[dreg:$0x5] =	wrdreg $0x9  }
0xb2: {  	_ =	task.clear_ibuf [dreg:s7], $0x6FFFF;
	_ =	strace $0x90000046  }
0xb3: {  	s29 =	simm.s32 $0x9;
	_ =	strace $0x80000048  }
0xb4: {  	_ =	swait.ge [sflag:s29], $0x1  }
0xb5: {  	[sflag:s29] =	ssyncadd.s32 $0xFFFFFFFF  }
0xb6: {  	_ =	strace $0x90000048  }
0xb7: {  	_ =	sfence  }
0xb8: {  	s30 =	sld [smem:$0x0];
	_ =	sdelay $0x2  }
0xb9: {  	s31 =	sshll.u32 s1, $0xD;
	s1 =	sshrl.u32 s1, $0x2  }
0xba: {  	s3 =	sand.u32 $0x4000, s31;
	s1 =	sadd.s32 s1, s30  }
0xbb: {  	s0 =	sor.u32 s3, s0;
	s1 =	sshll.u32 s1, $0x11  }
0xbc: {  	s0 =	sor.u32 s1, s0  }
0xbd: {  	s0 =	sadd.s32 $0x8F2B, s0  }
0xbe: {  	[sflag:s0] =	ssyncadd.remote.s32 $0x1  }
0xbf: {  	_ =	sfence.sel $0xFFFF  }
0xc0: {  	[dreg:$0x0] =	wrdreg $0xFFFFFFFF;
	(pc) =	sbr.abs _section_cstart, $3  }
0xc1: {  	[dreg:$0x1] =	wrdreg $0xFFFFFFFF  }
0xc2: {  	_ =	task.clear_ibuf [dreg:s7], $0x2FFFF;
	_ =	strace $0x9FFFFFFF  }
0xc3: {  	(tm) =	ssettm $0x7FFFFFFF  }
tec
execute0_lowered:
.L_overlay_start_1:
0x0: {  	(tag) =	ssettag $0x1  }
0x1: {  	s0 =	rddreg [dreg:$0x0]  }
0x2: {  	s1 =	srdreg.scid;
	s3 =	rddreg [dreg:$0x2]  }
0x3: {  	s10 =	stileid.u32;
	s5 =	simm.s32 $0x0;
	s28 =	simm.s32 $0x1  }
0x4: {  	s29 =	simm.s32 $0x2;
	s30 =	simm.s32 $0x5000;
	s4 =	smul.u32 $0xA00, s10  }
0x5: {  	s31 =	simm.s32 $0x0;
	s1 =	sand.u32 $0x1, s1;
	s19 =	smul.u32 $0x50000, s10  }
0x6: {  	[smem:$0x7FF] =	sst s5;
	s6 =	sadd.s32 $0x63E00, s0;
	s21 =	smul.u32 $0x2800, s10  }
0x7: {  	s2 =	sshll.u32 s1, $0x4;
	_ =	strace $0x80000047;
	[dreg:$0x4] =	wrdreg s6  }
0x8: {  	s20 =	ssub.s32 $0x2, s1;
	p0 =	seq.s32 s1, $0x0;
	s2 =	sor.u32 s10, s2  }
0x9: {  	s4 =	sadd.s32 s4, s0;
	s7 =	sshrl.u32 s20, $0x1;
	s5 =	sshrl.u32 s19, $0x2  }
0xa: {  	[dreg:$0x5] =	wrdreg s21;
	s2 =	smul.u32 $0x500, s2;
	s9 =	ssub.s32 s20, s7  }
0xb: {  	s6 =	sadd.s32 s5, s3;
	s7 =	sadd.s32 $0xBA00, s4;
	s8 =	sadd.s32 $0x1A00, s4  }
0xc: {  	s22 =	smax.u32 s9, $0x1;
	s23 =	sadd.s32 $0x2000, s6;
	s24 =	sadd.s32 $0x4000, s6  }
0xd: {  	s25 =	sadd.s32 $0x6000, s6;
	s26 =	sadd.s32 $0x8000, s6;
	[dreg:$0x7] =	wrdreg s22  }
0xe: {  	s16 =	sadd.s32 $0xA000, s6;
	s17 =	sadd.s32 $0xC000, s6;
	[dreg:$0x8] =	wrdreg s23  }
0xf: {  	s18 =	sadd.s32 $0xE000, s6;
	s19 =	sadd.s32 $0x10000, s6;
	[dreg:$0x9] =	wrdreg s24  }
.Ltmp0:
0x10: {  	s2 =	sadd.s32 s2, s0;
	[dreg:$0xa] =	wrdreg s25;
	(pc) =	sbr.rel .LBB2_1-.Ltmp0, $4  }
0x11: {  	s20 =	sadd.s32 $0x12000, s6;
	[dreg:$0xb] =	wrdreg s26;
	s2 =	sadd.s32 $0x8BE00, s2  }
0x12: {  	s22 =	simm.s32 $0x1000;
	[dreg:$0x6] =	wrdreg s2;
	s2 =	simm.s32 $0x3CC00  }
0x13: {  	s23 =	simm.s32 $0x3;
	s25 =	simm.s32 $0x40;
	s2 =	simm.s32 @!p0 $0x15A00  }
0x14: {  	v0 =	vimm.f32 $0.0e+00;
	v1 =	vimm.f32 $1.000000000e+00;
	s26 =	simm.s32 $0x3000;
	p0 =	sne.s32 s1, $0x0;
	s21 =	sadd.s32 s2, s0  }
.LBB2_11:
0x15: {  	s0 =	rddreg [dreg:$0x4]  }
.LBB2_12:
0x16: {  	s1 =	rddreg [dreg:$0x5];
	s13 =	stileid.u32  }
0x17: {  	s0 =	sadd.s32 s0, s1;
	s1 =	sshll.u32 s13, $0x6  }
0x18: {  	[bflag:$0x0] =	sbarrier.arrive $0xFFFF;
	s2 =	sshrl.u32 s6, $0x3;
	s1 =	sor.u32 $0x1C03, s1  }
0x19: {  	[hbm:s0], [sflag:s1] =	dma.local [spmem:s2], $0x2800  }
0x1a: {  	_ =	swait.ge [sflag:s23], $0x2800  }
0x1b: {  	[sflag:s23] =	ssyncset.done $0x0  }
0x1c: {  	s14 =	simm.s32 $0x0;
	s15 =	rddreg [dreg:$0x6];
	[sflag:s23] =	ssyncadd.s32 $0xFFFFD800  }
0x1d: {  	[hbm4b:s15+s14] =	stream.linear.scatter [tilespmem:s30], [sflag:$0x3], $0x2800, $0x38;
	[tilespmem:$0x1B800] =	vst v63  }
0x1e: {  	_ =	swait.ge [sflag:s23], $0x2800  }
0x1f: {  	s31 =	sadd.s32 $0x1, s31;
	s24 =	rddreg [dreg:$0x7]  }
0x20: {  	p1 =	sne.s32 s31, s24  }
.Ltmp1:
0x21: {  	_ = 	snop;
	(pc) =	sbr.rel @!p1 .LBB2_13-.Ltmp1, $3  }
0x22: {  	_ =	sdelay $0x1  }
0x23: {  	[sflag:s23] =	ssyncset.done $0x0  }
0x24: {  	[sflag:s23] =	ssyncadd.s32 $0xFFFFD800  }
.LBB2_1:
0x25: {  	s0 =	simm.s32 $0x0;
	s1 =	simm.s32 $0x200  }
.LBB2_2:
0x26: {  	p1 =	sne.s32 s1, $0x7E00;
	[tilespmem:s0+$0x1070] =	vst v0  }
0x27: {  	[tilespmem:s0+$0x1000] =	vst v0  }
0x28: {  	[tilespmem:s0+$0x1010] =	vst v0  }
.Ltmp2:
0x29: {  	[tilespmem:s0+$0x1020] =	vst v0;
	(pc) =	sbr.rel @p1 .LBB2_2-.Ltmp2, $4  }
0x2a: {  	[tilespmem:s0+$0x1030] =	vst v0  }
0x2b: {  	[tilespmem:s0+$0x1040] =	vst v0  }
0x2c: {  	[tilespmem:s0+$0x1050] =	vst v0  }
0x2d: {  	[tilespmem:s0+$0x1060] =	vst v0;
	s0 =	sshra.s32 s1, $0x2;
	s1 =	sadd.s32 $0x200, s1  }
0x2e: {  	[tilespmem:s0+$0x1070] =	vst v0  }
0x2f: {  	[tilespmem:s0+$0x1000] =	vst v0  }
0x30: {  	[tilespmem:s0+$0x1010] =	vst v0  }
0x31: {  	[tilespmem:s0+$0x1020] =	vst v0  }
0x32: {  	[tilespmem:s0+$0x1030] =	vst v0  }
0x33: {  	[tilespmem:s0+$0x1040] =	vst v0  }
0x34: {  	[tilespmem:s0+$0x1050] =	vst v0  }
0x35: {  	[tilespmem:s0+$0x1060] =	vst v0;
	s0 =	simm.s32 $0x70;
	s1 =	simm.s32 $0x3C0  }
.LBB2_4:
0x36: {  	p1 =	sne.s32 s1, $0x9FC0;
	[tilespmem:s0+$0x5000] =	vst v0  }
0x37: {  	[tilespmem:s0+$0x4F90] =	vst v0  }
0x38: {  	[tilespmem:s0+$0x4FA0] =	vst v0  }
.Ltmp3:
0x39: {  	[tilespmem:s0+$0x4FB0] =	vst v0;
	(pc) =	sbr.rel @p1 .LBB2_4-.Ltmp3, $4  }
0x3a: {  	[tilespmem:s0+$0x4FC0] =	vst v0  }
0x3b: {  	[tilespmem:s0+$0x4FD0] =	vst v0  }
0x3c: {  	[tilespmem:s0+$0x4FE0] =	vst v0  }
0x3d: {  	[tilespmem:s0+$0x4FF0] =	vst v0;
	s0 =	sshra.s32 s1, $0x2;
	s1 =	sadd.s32 $0x200, s1  }
0x3e: {  	[tilespmem:s0+$0x5000] =	vst v0  }
0x3f: {  	[tilespmem:s0+$0x4F90] =	vst v0  }
0x40: {  	[tilespmem:s0+$0x4FA0] =	vst v0  }
0x41: {  	[tilespmem:s0+$0x4FB0] =	vst v0  }
0x42: {  	[tilespmem:s0+$0x4FC0] =	vst v0  }
0x43: {  	[tilespmem:s0+$0x4FD0] =	vst v0  }
0x44: {  	[tilespmem:s0+$0x4FE0] =	vst v0  }
0x45: {  	[tilespmem:s0+$0x4FF0] =	vst v0  }
0x46: {  	[spmem:s6] =	stream.linear.scatter [tilespmem:s22], [sflag:$0x3], $0x2000, $0x38;
	[tilespmem:$0x1B800] =	vst v63  }
0x47: {  	_ =	swait.ge [sflag:s23], $0x2000  }
0x48: {  	[sflag:s23] =	ssyncset.done $0x0  }
0x49: {  	s13 =	rddreg [dreg:$0x8];
	[sflag:s23] =	ssyncadd.s32 $0xFFFFE000  }
0x4a: {  	[spmem:s13] =	stream.linear.scatter [tilespmem:s22], [sflag:$0x3], $0x2000, $0x38;
	[tilespmem:$0x1B800] =	vst v63  }
0x4b: {  	_ =	swait.ge [sflag:s23], $0x2000  }
0x4c: {  	[sflag:s23] =	ssyncset.done $0x0  }
0x4d: {  	s14 =	rddreg [dreg:$0x9];
	[sflag:s23] =	ssyncadd.s32 $0xFFFFE000  }
0x4e: {  	[spmem:s14] =	stream.linear.scatter [tilespmem:s22], [sflag:$0x3], $0x2000, $0x38;
	[tilespmem:$0x1B800] =	vst v63  }
0x4f: {  	_ =	swait.ge [sflag:s23], $0x2000  }
0x50: {  	[sflag:s23] =	ssyncset.done $0x0  }
0x51: {  	s15 =	rddreg [dreg:$0xa];
	[sflag:s23] =	ssyncadd.s32 $0xFFFFE000  }
0x52: {  	[spmem:s15] =	stream.linear.scatter [tilespmem:s22], [sflag:$0x3], $0x2000, $0x38;
	[tilespmem:$0x1B800] =	vst v63  }
0x53: {  	_ =	swait.ge [sflag:s23], $0x2000  }
0x54: {  	[sflag:s23] =	ssyncset.done $0x0  }
0x55: {  	s24 =	rddreg [dreg:$0xb];
	[sflag:s23] =	ssyncadd.s32 $0xFFFFE000  }
0x56: {  	[spmem:s24] =	stream.linear.scatter [tilespmem:s22], [sflag:$0x3], $0x2000, $0x38;
	[tilespmem:$0x1B800] =	vst v63  }
0x57: {  	_ =	swait.ge [sflag:s23], $0x2000  }
0x58: {  	[sflag:s23] =	ssyncset.done $0x0  }
0x59: {  	[sflag:s23] =	ssyncadd.s32 $0xFFFFE000  }
0x5a: {  	[spmem:s16] =	stream.linear.scatter [tilespmem:s22], [sflag:$0x3], $0x2000, $0x38;
	[tilespmem:$0x1B800] =	vst v63  }
0x5b: {  	_ =	swait.ge [sflag:s23], $0x2000  }
0x5c: {  	[sflag:s23] =	ssyncset.done $0x0  }
0x5d: {  	[sflag:s23] =	ssyncadd.s32 $0xFFFFE000  }
0x5e: {  	[spmem:s17] =	stream.linear.scatter [tilespmem:s22], [sflag:$0x3], $0x2000, $0x38;
	[tilespmem:$0x1B800] =	vst v63  }
0x5f: {  	_ =	swait.ge [sflag:s23], $0x2000  }
0x60: {  	[sflag:s23] =	ssyncset.done $0x0  }
0x61: {  	[sflag:s23] =	ssyncadd.s32 $0xFFFFE000  }
0x62: {  	[spmem:s18] =	stream.linear.scatter [tilespmem:s22], [sflag:$0x3], $0x2000, $0x38;
	[tilespmem:$0x1B800] =	vst v63  }
0x63: {  	_ =	swait.ge [sflag:s23], $0x2000  }
0x64: {  	[sflag:s23] =	ssyncset.done $0x0  }
0x65: {  	[sflag:s23] =	ssyncadd.s32 $0xFFFFE000  }
0x66: {  	[spmem:s19] =	stream.linear.scatter [tilespmem:s22], [sflag:$0x3], $0x2000, $0x38;
	[tilespmem:$0x1B800] =	vst v63  }
0x67: {  	_ =	swait.ge [sflag:s23], $0x2000  }
0x68: {  	[sflag:s23] =	ssyncset.done $0x0  }
0x69: {  	[sflag:s23] =	ssyncadd.s32 $0xFFFFE000  }
0x6a: {  	[spmem:s20] =	stream.linear.scatter [tilespmem:s22], [sflag:$0x3], $0x2000, $0x38;
	[tilespmem:$0x1B800] =	vst v63  }
0x6b: {  	_ =	swait.ge [sflag:s23], $0x2000  }
0x6c: {  	[sflag:s23] =	ssyncset.done $0x0  }
0x6d: {  	[sflag:s23] =	ssyncadd.s32 $0xFFFFE000  }
0x6e: {  	s0 =	simm.s32 $0x0;
	[bflag:$0x0] =	sbarrier.arrive $0xFFFF  }
0x6f: {  	[tilespmem:s0], [sflag:$0x3] =	stream.linear.gather [hbm4b:s7+s0], $0x400, $0x38;
	[tilespmem:$0x1B800] =	vst v63  }
0x70: {  	_ =	swait.ge [sflag:s23], $0x400  }
0x71: {  	[sflag:s23] =	ssyncset.done $0x0  }
0x72: {  	s1 =	simm.s32 $0x800;
	[sflag:s23] =	ssyncadd.s32 $0xFFFFFC00  }
0x73: {  	[tilespmem:s1], [sflag:$0x3] =	stream.linear.gather [hbm4b:s8+s0], $0x400, $0x38;
	[tilespmem:$0x1B800] =	vst v63  }
.Ltmp4:
0x74: {  	_ = 	snop;
	(pc) =	sbr.rel .LBB2_6-.Ltmp4, $4  }
0x75: {  	s4 =	sadd.s32 $0x20, s7;
	s5 =	simm.s32 $0x4F;
	_ =	swait.ge [sflag:s23], $0x400  }
0x76: {  	s2 =	simm.s32 $0x100;
	s9 =	simm.s32 $0x0;
	[sflag:s23] =	ssyncset.done $0x0  }
0x77: {  	s24 =	simm.s32 $0x2;
	s1 =	sadd.s32 $0x20, s8;
	[sflag:s23] =	ssyncadd.s32 $0xFFFFFC00  }
0x78: {  	[tilespmem:s22], [sflag:$0x1] =	stream.indirect.gather [hbm4b:s21+s25], $0x80, s0, s25, $0xb8;
	[tilespmem:$0x1B800] =	vst v63  }
.LBB2_10:
0x79: {  	v2 =	vld [tilespmem:s10+$0x0];
	_ =	sdelay $0x7  }
0x7a: {  	[tilespmem:v2+s30+$0x0] =	vst.idx.add.f32.msk $0xffff, v1  }
0x7b: {  	v2 =	vld [tilespmem:s10+$0x10];
	_ =	sdelay $0x7  }
0x7c: {  	[tilespmem:v2+s30+$0x0] =	vst.idx.add.f32.msk $0xffff, v1  }
0x7d: {  	v2 =	vld [tilespmem:s10+$0x20];
	_ =	sdelay $0x7  }
0x7e: {  	[tilespmem:v2+s30+$0x0] =	vst.idx.add.f32.msk $0xffff, v1  }
0x7f: {  	v2 =	vld [tilespmem:s10+$0x30];
	_ =	sdelay $0x2  }
0x80: {  	p1 =	sne.s32 s5, $0x0  }
.Ltmp5:
0x81: {  	_ = 	snop;
	(pc) =	sbr.rel @!p1 .LBB2_11-.Ltmp5, $2  }
0x82: {  	_ =	sdelay $0x2  }
0x83: {  	[tilespmem:v2+s30+$0x0] =	vst.idx.add.f32.msk $0xffff, v1  }
.LBB2_9:
0x84: {  	s0 =	sadd.s32 $0x400, s0;
	s5 =	sadd.s32 $0xFFFFFFFF, s5;
	s1 =	sadd.s32 $0x20, s1  }
0x85: {  	s4 =	sadd.s32 $0x20, s4;
	s2 =	sadd.s32 $0x100, s2;
	s24 =	sadd.s32 $0x2, s24  }
.LBB2_6:
0x86: {  	s10 =	sand.u32 $0xC00, s0  }
0x87: {  	s11 =	sand.u32 $0x1000, s0;
	s10 =	sor.u32 $0x200, s10  }
0x88: {  	s11 =	sor.u32 s10, s11  }
0x89: {  	s15 =	sadd.s32 $0xFFFFFF00, s2;
	s11 =	sshrl.u32 s11, $0x2  }
0x8a: {  	[tilespmem:s26], [sflag:$0x2] =	stream.indirect.gather [hbm4b:s21+s25], $0x80, s11, s25, $0xb8;
	[tilespmem:$0x1B800] =	vst v63  }
0x8b: {  	s12 =	sand.u32 $0x400, s15;
	_ =	swait.ge [sflag:s28], $0x2000  }
0x8c: {  	s12 =	sor.u32 $0x800, s12;
	s11 =	sand.u32 $0x300, s15;
	[sflag:s28] =	ssyncset.done $0x0  }
0x8d: {  	s11 =	sor.u32 s11, s12;
	[sflag:s28] =	ssyncadd.s32 $0xFFFFE000  }
0x8e: {  	[spmem:s3] =	stream.indirect.scatter.add.f32 [tilespmem:s22], [sflag:$0x3], $0x80, s11, s25, $0xb8;
	[tilespmem:$0x1B800] =	vst v63  }
0x8f: {  	_ =	swait.ge [sflag:s23], $0x2000  }
0x90: {  	[sflag:s23] =	ssyncset.done $0x0  }
0x91: {  	[sflag:s23] =	ssyncadd.s32 $0xFFFFE000  }
0x92: {  	v2 =	vld @!p0 [tilespmem:s11+$0x0];
	_ =	sdelay $0x6  }
0x93: {  	v3 =	vimm.f32 @!p0 $1.000000000e+00;
	s13 =	simm.s32 @!p0 $0x5000  }
0x94: {  	[tilespmem:v2+s13+$0x0] =	vst.idx.add.f32.msk @!p0 $0xffff, v3  }
0x95: {  	v2 =	vld @!p0 [tilespmem:s11+$0x10];
	_ =	sdelay $0x7  }
0x96: {  	[tilespmem:v2+s13+$0x0] =	vst.idx.add.f32.msk @!p0 $0xffff, v3  }
0x97: {  	v2 =	vld @!p0 [tilespmem:s11+$0x20];
	_ =	sdelay $0x7  }
0x98: {  	[tilespmem:v2+s13+$0x0] =	vst.idx.add.f32.msk @!p0 $0xffff, v3  }
0x99: {  	v2 =	vld @!p0 [tilespmem:s11+$0x30];
	_ =	sdelay $0x3  }
0x9a: {  	p1 =	seq.s32 s5, $0x0  }
0x9b: {  	s11 =	sand.u32 @!p1 $0x6, s24  }
0x9c: {  	p2 =	sne.s32 @!p1 s11, $0x0  }
0x9d: {  	p2 =	por p2, p1  }
0x9e: {  	s14 =	simm.s32 @!p2 $0x0;
	s15 =	simm.s32 @!p2 $0x3;
	[tilespmem:v2+s13+$0x0] =	vst.idx.add.f32.msk @!p0 $0xffff, v3;
	s13 =	sand.u32 @!p2 $0x400, s2  }
0x9f: {  	[tilespmem:s13], [sflag:$0x3] =	stream.linear.gather @!p2 [hbm4b:s4+s14], $0x400, $0x38;
	[tilespmem:$0x1B800] =	vst v63  }
0xa0: {  	_ =	swait.ge @!p2 [sflag:s15], $0x400  }
0xa1: {  	[sflag:s15] =	ssyncset.done @!p2 $0x0  }
0xa2: {  	s13 =	sor.u32 @!p2 $0x800, s13;
	[sflag:s15] =	ssyncadd.s32 @!p2 $0xFFFFFC00  }
0xa3: {  	[tilespmem:s13], [sflag:$0x3] =	stream.linear.gather @!p2 [hbm4b:s1+s14], $0x400, $0x38;
	[tilespmem:$0x1B800] =	vst v63  }
0xa4: {  	s13 =	sadd.s32 @!p1 $0x400, s0  }
0xa5: {  	s11 =	sshll.u32 @!p1 s11, $0x7;
	_ =	swait.ge @!p2 [sflag:s15], $0x400;
	s13 =	sand.u32 @!p1 $0x1000, s13  }
0xa6: {  	s14 =	simm.s32 @!p1 $0x1000;
	[sflag:s15] =	ssyncset.done @!p2 $0x0;
	s13 =	sshrl.u32 @!p1 s13, $0x2  }
0xa7: {  	[sflag:s15] =	ssyncadd.s32 @!p2 $0xFFFFFC00;
	s11 =	sor.u32 @!p1 s11, s13;
	s13 =	simm.s32 @!p1 $0x40  }
0xa8: {  	[tilespmem:s14], [sflag:$0x1] =	stream.indirect.gather @!p1 [hbm4b:s21+s13], $0x80, s11, s13, $0xb8;
	[tilespmem:$0x1B800] =	vst v63  }
0xa9: {  	_ =	swait.ge [sflag:s29], $0x2000  }
0xaa: {  	s10 =	sshrl.u32 s10, $0x2;
	[sflag:s29] =	ssyncset.done $0x0  }
.Ltmp6:
0xab: {  	s10 =	sadd.s32 s10, s12;
	[sflag:s29] =	ssyncadd.s32 $0xFFFFE000;
	(pc) =	sbr.rel @p0 .LBB2_10-.Ltmp6, $4  }
0xac: {  	[spmem:s3] =	stream.indirect.scatter.add.f32 [tilespmem:s26], [sflag:$0x3], $0x80, s10, s25, $0xb8;
	[tilespmem:$0x1B800] =	vst v63  }
0xad: {  	_ =	swait.ge [sflag:s23], $0x2000  }
0xae: {  	[sflag:s23] =	ssyncset.done $0x0  }
0xaf: {  	s9 =	sadd.s32 $0x1, s9;
	[sflag:s23] =	ssyncadd.s32 $0xFFFFE000  }
.Ltmp7:
0xb0: {  	(pc) =	sbr.rel @!p1 .LBB2_9-.Ltmp7, $1  }
0xb1: {  	_ =	sdelay $0x3  }
.Ltmp8:
0xb2: {  	(pc) =	sbr.rel .LBB2_12-.Ltmp8, $2  }
0xb3: {  	_ =	sdelay $0x2  }
0xb4: {  	s0 =	rddreg [dreg:$0x1]  }
.LBB2_13:
0xb5: {  	_ =	sfence.sel $0x180000  }
0xb6: {  	[bflag:$0x0] =	sbarrier.arrive $0xFFFF  }
0xb7: {  	_ =	strace $0x90000047  }
0xb8: {  	s0 =	stileid.u32;
	[bflag:$0x2] =	sbarrier.arrive $0xFFFF  }
0xb9: {  	p0 =	sne.s32 s0, $0x0;
	s0 =	rddreg [dreg:$0x3]  }
0xba: {  	s0 =	sadd.s32 @!p0 $0x100000, s0  }
0xbb: {  	[sflag:s0] =	ssyncadd.tile.s32 @!p0 $0x1;
	_ =	shalt  }
.Lfunc_end2:
_tile_overlayer_lowered:
.L_overlay_start_2:
0xbc: {  	(tag) =	ssettag $0x2  }
0xbd: {  	s0 =	rddreg [dreg:$0x0];
	s2 =	stileid.u32  }
0xbe: {  	s1 =	rddreg [dreg:$0x1];
	p0 =	sne.s32 s2, $0x0  }
0xbf: {  	s3 =	rddreg [dreg:$0x2];
	[bflag:$0x3] =	sbarrier.arrive $0xFFFF;
	s2 =	simm.s32 @!p0 $0x1C03  }
0xc0: {  	[timem:s3], [sflag:s2] =	dma.local @!p0 [hbm:s0], s1  }
0xc1: {  	s0 =	simm.s32 @!p0 $0x3  }
0xc2: {  	_ =	swait.ge @!p0 [sflag:s0], s1  }
0xc3: {  	s1 =	ssub.s32 @!p0 $0x0, s1;
	[sflag:s0] =	ssyncset.done @!p0 $0x0  }
0xc4: {  	[sflag:s0] =	ssyncadd.s32 @!p0 s1  }
0xc5: {  	[bflag:$0x3] =	sbarrier.arrive $0xFFFF  }
0xc6: {  	_ =	shalt  }

</sc_bundles>
